<compile_context>
chip_gen: v7x
topology: tpu7x:2x2x1
jax: 0.10.2.dev20260603
libtpu: 0.0.44.dev20260713+nightly
codegen_flags: <defaults>
</compile_context>

<pallas_src>
import functools

import jax
import jax.numpy as jnp
from jax import lax
from jax.experimental import pallas as pl
from jax.experimental.pallas import tpu as pltpu
from jax.experimental.pallas import tpu_sc as plsc

_BATCH = 16384
_FIELDS = 26
_D = 128
_NUM_ROWS = _BATCH * _FIELDS
_NC = 2
_NS = 16
_NW = _NC * _NS
_B_PER_W = _NUM_ROWS // _NW
_CHUNK = 128
_N_CHUNKS = _B_PER_W // _CHUNK
_SUPER = 2 * _CHUNK
_N_SUPER = _B_PER_W // _SUPER
_NBUF = 3
_N_GROUPS = _N_SUPER // _NBUF
_N_TAIL = _N_SUPER - _N_GROUPS * _NBUF


@jax.jit
def _sc_gather(idx, weight):
    mesh = plsc.VectorSubcoreMesh(core_axis_name="c", subcore_axis_name="s")

    @functools.partial(
        pl.kernel,
        out_type=jax.ShapeDtypeStruct((_NUM_ROWS, _D), jnp.float32),
        mesh=mesh,
        scratch_types=[
            pltpu.VMEM((_N_CHUNKS, _CHUNK), jnp.int32),
            pltpu.VMEM((_NBUF, _SUPER, _D), jnp.float32),
            pltpu.SemaphoreType.DMA,
            pltpu.SemaphoreType.DMA,
        ],
    )
    def k(idx_hbm, w_hbm, out_hbm, idx_v, bufs, sem_g, sem_s):
        wid = lax.axis_index("s") * _NC + lax.axis_index("c")
        base = wid * _B_PER_W
        pltpu.sync_copy(idx_hbm.at[wid], idx_v)

        def drain_one_scatter():
            pltpu.make_async_copy(
                bufs.at[0], out_hbm.at[pl.ds(base, _SUPER)], sem_s).wait()

        def group(first, nsuper, ndrain):
            gd = []
            for b in range(nsuper):
                if b < ndrain:
                    drain_one_scatter()
                s = first + b
                gd.append((
                    pltpu.async_copy(w_hbm.at[idx_v.at[2 * s]],
                                     bufs.at[b, pl.ds(0, _CHUNK)], sem_g),
                    pltpu.async_copy(w_hbm.at[idx_v.at[2 * s + 1]],
                                     bufs.at[b, pl.ds(_CHUNK, _CHUNK)], sem_g),
                ))
            for b in range(nsuper):
                gd[b][0].wait()
                gd[b][1].wait()
                pltpu.async_copy(
                    bufs.at[b],
                    out_hbm.at[pl.ds(base + (first + b) * _SUPER, _SUPER)],
                    sem_s)

        group(0, _NBUF, 0)

        def body(t, carry):
            group(t * _NBUF, _NBUF, _NBUF)
            return carry

        lax.fori_loop(1, _N_GROUPS, body, 0)

        group(_N_GROUPS * _NBUF, _N_TAIL, _N_TAIL)
        for _ in range(_NBUF):
            drain_one_scatter()

    return k(idx, weight)


def kernel(team_idx, weight):
    idx = team_idx.astype(jnp.int32).T.reshape(_NW, _N_CHUNKS, _CHUNK)
    out = _sc_gather(idx, weight)
    return out.reshape(_FIELDS, _BATCH, _D).transpose(1, 0, 2)

# --- scband reference (transcript-rebuilt; emitter-appended) ---
"""Pipeline reference for scband-team-embedding-46677704573236 (READ-ONLY COPY).

The authoritative reference and input builder live on the scoring server;
editing this copy changes nothing except your own understanding.
"""

import jax, jax.numpy as jnp
import numpy as np

NUM_TEAMS = 100000
EMBED_DIM = 128
BATCH = 16384
FIELDS = 26

def setup_inputs(seed: int = 0) -> dict:
    key = jax.random.key(seed)
    k_idx, k_w = jax.random.split(key)
    team_idx = jax.random.randint(k_idx, (BATCH, FIELDS), 0, NUM_TEAMS, dtype=jnp.int64)
    # nn.Embedding(num_teams + 1, embed_dim), weights ~ N(0, 0.1)
    weight = jax.random.normal(k_w, (NUM_TEAMS + 1, EMBED_DIM), dtype=jnp.float32) * 0.1
    return {"team_idx": team_idx, "weight": weight}

def reference(team_idx, weight):
    # embedding lookup: gather rows of weight by team_idx
    return jnp.take(weight, team_idx, axis=0)

if __name__ == "__main__":
    import jax
    _d = setup_inputs()
    print(jax.jit(kernel)(*tuple(_d.values())))

</pallas_src>

<mosaic_0001>
#map = affine_map<(d0, d1) -> (0, 0, 0)>
#map1 = affine_map<(d0, d1) -> (0, 0)>
module attributes {stable_mosaic.version = 14 : i64} {
  func.func @k(%arg0: i32, %arg1: i32, %arg2: memref<32x104x128xi32, #tpu.memory_space<hbm>>, %arg3: memref<100001x128xf32, #tpu.memory_space<hbm>>, %arg4: memref<425984x128xf32, #tpu.memory_space<hbm>>, %arg5: memref<104x128xi32, #tpu.memory_space<vmem>>, %arg6: memref<3x256x128xf32, #tpu.memory_space<vmem>>, %arg7: memref<!tpu.dma_semaphore, #tpu.memory_space<semaphore_mem>>, %arg8: memref<!tpu.dma_semaphore, #tpu.memory_space<semaphore_mem>>) attributes {dimension_semantics = [#tpu.dimension_semantics<core_parallel>, #tpu.dimension_semantics<subcore_parallel>], iteration_bounds = array<i64: 2, 16>, scalar_prefetch = 0 : i64, scratch_operands = 4 : i64, tpu.core_type = #tpu.core_type<sc_vector_subcore>, window_params = [{transform_indices = #map}, {transform_indices = #map1}, {transform_indices = #map1}]} {
    %mul3A = arith.constant 2 : i32
    %mul3A_0 = arith.muli %arg1, %mul3A : i32
    %add3A = arith.addi %mul3A_0, %arg0 : i32
    %mul3A_1 = arith.constant 13312 : i32
    %mul3A_2 = arith.muli %add3A, %mul3A_1 : i32
    "tpu.region"() ({
      %run_scoped3A = tpu.sem_alloc : memref<!tpu.dma_semaphore, #tpu.memory_space<semaphore_mem>>
      %dma_start3A_310 = arith.constant 0 : i32
      %dma_start3A_311 = arith.constant 0 : i32
      %dma_start3A_312 = tpu.memref_slice %arg2[%add3A, %dma_start3A_310, %dma_start3A_311] : memref<32x104x128xi32, #tpu.memory_space<hbm>> -> memref<1x104x128xi32, #tpu.memory_space<hbm>>
      %dma_start3A_313 = tpu.memref_squeeze %dma_start3A_312 : memref<1x104x128xi32, #tpu.memory_space<hbm>> -> memref<104x128xi32, #tpu.memory_space<hbm>>
      %dma_start3A_314 = arith.constant 0 : i32
      %dma_start3A_315 = arith.constant 0 : i32
      %dma_start3A_316 = tpu.memref_slice %arg2[%add3A, %dma_start3A_314, %dma_start3A_315] : memref<32x104x128xi32, #tpu.memory_space<hbm>> -> memref<1x104x128xi32, #tpu.memory_space<hbm>>
      %dma_start3A_317 = tpu.memref_squeeze %dma_start3A_316 : memref<1x104x128xi32, #tpu.memory_space<hbm>> -> memref<104x128xi32, #tpu.memory_space<hbm>>
      tpu.enqueue_dma source(%dma_start3A_317 : memref<104x128xi32, #tpu.memory_space<hbm>>) target(%arg5 : memref<104x128xi32, #tpu.memory_space<vmem>>) target_semaphore(%run_scoped3A : memref<!tpu.dma_semaphore, #tpu.memory_space<semaphore_mem>>)
      %dma_wait3A_318 = arith.constant 0 : i32
      %dma_wait3A_319 = arith.constant 0 : i32
      %dma_wait3A_320 = tpu.memref_slice %arg2[%add3A, %dma_wait3A_318, %dma_wait3A_319] : memref<32x104x128xi32, #tpu.memory_space<hbm>> -> memref<1x104x128xi32, #tpu.memory_space<hbm>>
      %dma_wait3A_321 = tpu.memref_squeeze %dma_wait3A_320 : memref<1x104x128xi32, #tpu.memory_space<hbm>> -> memref<104x128xi32, #tpu.memory_space<hbm>>
      %dma_wait3A_322 = arith.constant 0 : i32
      %dma_wait3A_323 = arith.constant 0 : i32
      %dma_wait3A_324 = tpu.memref_slice %arg2[%add3A, %dma_wait3A_322, %dma_wait3A_323] : memref<32x104x128xi32, #tpu.memory_space<hbm>> -> memref<1x104x128xi32, #tpu.memory_space<hbm>>
      %dma_wait3A_325 = tpu.memref_squeeze %dma_wait3A_324 : memref<1x104x128xi32, #tpu.memory_space<hbm>> -> memref<104x128xi32, #tpu.memory_space<hbm>>
      tpu.wait_dma2 semaphore(%run_scoped3A : memref<!tpu.dma_semaphore, #tpu.memory_space<semaphore_mem>>) src(%dma_wait3A_325 : memref<104x128xi32, #tpu.memory_space<hbm>>) dst(%arg5 : memref<104x128xi32, #tpu.memory_space<vmem>>)
      tpu.yield
    }) : () -> ()
    %dma_start3A = arith.constant 0 : i32
    %dma_start3A_3 = arith.constant 0 : i32
    %dma_start3A_4 = arith.constant 0 : i32
    %dma_start3A_5 = arith.constant 0 : i32
    %dma_start3A_6 = tpu.memref_slice %arg6[%dma_start3A_3, %dma_start3A_4, %dma_start3A_5] : memref<3x256x128xf32, #tpu.memory_space<vmem>> -> memref<1x128x128xf32, #tpu.memory_space<vmem>>
    %dma_start3A_7 = tpu.memref_squeeze %dma_start3A_6 : memref<1x128x128xf32, #tpu.memory_space<vmem>> -> memref<128x128xf32, #tpu.memory_space<vmem>>
    %dma_start3A_8 = arith.constant 0 : i32
    %dma_start3A_9 = tpu.memref_slice %arg5[%dma_start3A, %dma_start3A_8] : memref<104x128xi32, #tpu.memory_space<vmem>> -> memref<1x128xi32, #tpu.memory_space<vmem>>
    %dma_start3A_10 = tpu.memref_squeeze %dma_start3A_9 : memref<1x128xi32, #tpu.memory_space<vmem>> -> memref<128xi32, #tpu.memory_space<vmem>>
    %dma_start3A_11 = arith.constant 0 : i32
    %dma_start3A_12 = arith.constant 0 : i32
    %dma_start3A_13 = tpu.memref_slice %arg3[%dma_start3A_11, %dma_start3A_12] : memref<100001x128xf32, #tpu.memory_space<hbm>> -> memref<100001x128xf32, #tpu.memory_space<hbm>>
    tpu.enqueue_indirect_dma source(%dma_start3A_13 : memref<100001x128xf32, #tpu.memory_space<hbm>>) target(%dma_start3A_7 : memref<128x128xf32, #tpu.memory_space<vmem>>) offsets(%dma_start3A_10 : memref<128xi32, #tpu.memory_space<vmem>>) semaphore(%arg7 : memref<!tpu.dma_semaphore, #tpu.memory_space<semaphore_mem>>)
    %dma_start3A_14 = arith.constant 1 : i32
    %dma_start3A_15 = arith.constant 0 : i32
    %dma_start3A_16 = arith.constant 128 : i32
    %dma_start3A_17 = arith.constant 0 : i32
    %dma_start3A_18 = tpu.memref_slice %arg6[%dma_start3A_15, %dma_start3A_16, %dma_start3A_17] : memref<3x256x128xf32, #tpu.memory_space<vmem>> -> memref<1x128x128xf32, #tpu.memory_space<vmem>>
    %dma_start3A_19 = tpu.memref_squeeze %dma_start3A_18 : memref<1x128x128xf32, #tpu.memory_space<vmem>> -> memref<128x128xf32, #tpu.memory_space<vmem>>
    %dma_start3A_20 = arith.constant 0 : i32
    %dma_start3A_21 = tpu.memref_slice %arg5[%dma_start3A_14, %dma_start3A_20] : memref<104x128xi32, #tpu.memory_space<vmem>> -> memref<1x128xi32, #tpu.memory_space<vmem>>
    %dma_start3A_22 = tpu.memref_squeeze %dma_start3A_21 : memref<1x128xi32, #tpu.memory_space<vmem>> -> memref<128xi32, #tpu.memory_space<vmem>>
    %dma_start3A_23 = arith.constant 0 : i32
    %dma_start3A_24 = arith.constant 0 : i32
    %dma_start3A_25 = tpu.memref_slice %arg3[%dma_start3A_23, %dma_start3A_24] : memref<100001x128xf32, #tpu.memory_space<hbm>> -> memref<100001x128xf32, #tpu.memory_space<hbm>>
    tpu.enqueue_indirect_dma source(%dma_start3A_25 : memref<100001x128xf32, #tpu.memory_space<hbm>>) target(%dma_start3A_19 : memref<128x128xf32, #tpu.memory_space<vmem>>) offsets(%dma_start3A_22 : memref<128xi32, #tpu.memory_space<vmem>>) semaphore(%arg7 : memref<!tpu.dma_semaphore, #tpu.memory_space<semaphore_mem>>)
    %dma_start3A_26 = arith.constant 2 : i32
    %dma_start3A_27 = arith.constant 1 : i32
    %dma_start3A_28 = arith.constant 0 : i32
    %dma_start3A_29 = arith.constant 0 : i32
    %dma_start3A_30 = tpu.memref_slice %arg6[%dma_start3A_27, %dma_start3A_28, %dma_start3A_29] : memref<3x256x128xf32, #tpu.memory_space<vmem>> -> memref<1x128x128xf32, #tpu.memory_space<vmem>>
    %dma_start3A_31 = tpu.memref_squeeze %dma_start3A_30 : memref<1x128x128xf32, #tpu.memory_space<vmem>> -> memref<128x128xf32, #tpu.memory_space<vmem>>
    %dma_start3A_32 = arith.constant 0 : i32
    %dma_start3A_33 = tpu.memref_slice %arg5[%dma_start3A_26, %dma_start3A_32] : memref<104x128xi32, #tpu.memory_space<vmem>> -> memref<1x128xi32, #tpu.memory_space<vmem>>
    %dma_start3A_34 = tpu.memref_squeeze %dma_start3A_33 : memref<1x128xi32, #tpu.memory_space<vmem>> -> memref<128xi32, #tpu.memory_space<vmem>>
    %dma_start3A_35 = arith.constant 0 : i32
    %dma_start3A_36 = arith.constant 0 : i32
    %dma_start3A_37 = tpu.memref_slice %arg3[%dma_start3A_35, %dma_start3A_36] : memref<100001x128xf32, #tpu.memory_space<hbm>> -> memref<100001x128xf32, #tpu.memory_space<hbm>>
    tpu.enqueue_indirect_dma source(%dma_start3A_37 : memref<100001x128xf32, #tpu.memory_space<hbm>>) target(%dma_start3A_31 : memref<128x128xf32, #tpu.memory_space<vmem>>) offsets(%dma_start3A_34 : memref<128xi32, #tpu.memory_space<vmem>>) semaphore(%arg7 : memref<!tpu.dma_semaphore, #tpu.memory_space<semaphore_mem>>)
    %dma_start3A_38 = arith.constant 3 : i32
    %dma_start3A_39 = arith.constant 1 : i32
    %dma_start3A_40 = arith.constant 128 : i32
    %dma_start3A_41 = arith.constant 0 : i32
    %dma_start3A_42 = tpu.memref_slice %arg6[%dma_start3A_39, %dma_start3A_40, %dma_start3A_41] : memref<3x256x128xf32, #tpu.memory_space<vmem>> -> memref<1x128x128xf32, #tpu.memory_space<vmem>>
    %dma_start3A_43 = tpu.memref_squeeze %dma_start3A_42 : memref<1x128x128xf32, #tpu.memory_space<vmem>> -> memref<128x128xf32, #tpu.memory_space<vmem>>
    %dma_start3A_44 = arith.constant 0 : i32
    %dma_start3A_45 = tpu.memref_slice %arg5[%dma_start3A_38, %dma_start3A_44] : memref<104x128xi32, #tpu.memory_space<vmem>> -> memref<1x128xi32, #tpu.memory_space<vmem>>
    %dma_start3A_46 = tpu.memref_squeeze %dma_start3A_45 : memref<1x128xi32, #tpu.memory_space<vmem>> -> memref<128xi32, #tpu.memory_space<vmem>>
    %dma_start3A_47 = arith.constant 0 : i32
    %dma_start3A_48 = arith.constant 0 : i32
    %dma_start3A_49 = tpu.memref_slice %arg3[%dma_start3A_47, %dma_start3A_48] : memref<100001x128xf32, #tpu.memory_space<hbm>> -> memref<100001x128xf32, #tpu.memory_space<hbm>>
    tpu.enqueue_indirect_dma source(%dma_start3A_49 : memref<100001x128xf32, #tpu.memory_space<hbm>>) target(%dma_start3A_43 : memref<128x128xf32, #tpu.memory_space<vmem>>) offsets(%dma_start3A_46 : memref<128xi32, #tpu.memory_space<vmem>>) semaphore(%arg7 : memref<!tpu.dma_semaphore, #tpu.memory_space<semaphore_mem>>)
    %dma_start3A_50 = arith.constant 4 : i32
    %dma_start3A_51 = arith.constant 2 : i32
    %dma_start3A_52 = arith.constant 0 : i32
    %dma_start3A_53 = arith.constant 0 : i32
    %dma_start3A_54 = tpu.memref_slice %arg6[%dma_start3A_51, %dma_start3A_52, %dma_start3A_53] : memref<3x256x128xf32, #tpu.memory_space<vmem>> -> memref<1x128x128xf32, #tpu.memory_space<vmem>>
    %dma_start3A_55 = tpu.memref_squeeze %dma_start3A_54 : memref<1x128x128xf32, #tpu.memory_space<vmem>> -> memref<128x128xf32, #tpu.memory_space<vmem>>
    %dma_start3A_56 = arith.constant 0 : i32
    %dma_start3A_57 = tpu.memref_slice %arg5[%dma_start3A_50, %dma_start3A_56] : memref<104x128xi32, #tpu.memory_space<vmem>> -> memref<1x128xi32, #tpu.memory_space<vmem>>
    %dma_start3A_58 = tpu.memref_squeeze %dma_start3A_57 : memref<1x128xi32, #tpu.memory_space<vmem>> -> memref<128xi32, #tpu.memory_space<vmem>>
    %dma_start3A_59 = arith.constant 0 : i32
    %dma_start3A_60 = arith.constant 0 : i32
    %dma_start3A_61 = tpu.memref_slice %arg3[%dma_start3A_59, %dma_start3A_60] : memref<100001x128xf32, #tpu.memory_space<hbm>> -> memref<100001x128xf32, #tpu.memory_space<hbm>>
    tpu.enqueue_indirect_dma source(%dma_start3A_61 : memref<100001x128xf32, #tpu.memory_space<hbm>>) target(%dma_start3A_55 : memref<128x128xf32, #tpu.memory_space<vmem>>) offsets(%dma_start3A_58 : memref<128xi32, #tpu.memory_space<vmem>>) semaphore(%arg7 : memref<!tpu.dma_semaphore, #tpu.memory_space<semaphore_mem>>)
    %dma_start3A_62 = arith.constant 5 : i32
    %dma_start3A_63 = arith.constant 2 : i32
    %dma_start3A_64 = arith.constant 128 : i32
    %dma_start3A_65 = arith.constant 0 : i32
    %dma_start3A_66 = tpu.memref_slice %arg6[%dma_start3A_63, %dma_start3A_64, %dma_start3A_65] : memref<3x256x128xf32, #tpu.memory_space<vmem>> -> memref<1x128x128xf32, #tpu.memory_space<vmem>>
    %dma_start3A_67 = tpu.memref_squeeze %dma_start3A_66 : memref<1x128x128xf32, #tpu.memory_space<vmem>> -> memref<128x128xf32, #tpu.memory_space<vmem>>
    %dma_start3A_68 = arith.constant 0 : i32
    %dma_start3A_69 = tpu.memref_slice %arg5[%dma_start3A_62, %dma_start3A_68] : memref<104x128xi32, #tpu.memory_space<vmem>> -> memref<1x128xi32, #tpu.memory_space<vmem>>
    %dma_start3A_70 = tpu.memref_squeeze %dma_start3A_69 : memref<1x128xi32, #tpu.memory_space<vmem>> -> memref<128xi32, #tpu.memory_space<vmem>>
    %dma_start3A_71 = arith.constant 0 : i32
    %dma_start3A_72 = arith.constant 0 : i32
    %dma_start3A_73 = tpu.memref_slice %arg3[%dma_start3A_71, %dma_start3A_72] : memref<100001x128xf32, #tpu.memory_space<hbm>> -> memref<100001x128xf32, #tpu.memory_space<hbm>>
    tpu.enqueue_indirect_dma source(%dma_start3A_73 : memref<100001x128xf32, #tpu.memory_space<hbm>>) target(%dma_start3A_67 : memref<128x128xf32, #tpu.memory_space<vmem>>) offsets(%dma_start3A_70 : memref<128xi32, #tpu.memory_space<vmem>>) semaphore(%arg7 : memref<!tpu.dma_semaphore, #tpu.memory_space<semaphore_mem>>)
    %dma_wait3A = arith.constant 0 : i32
    %dma_wait3A_74 = arith.constant 0 : i32
    %dma_wait3A_75 = arith.constant 0 : i32
    %dma_wait3A_76 = arith.constant 0 : i32
    %dma_wait3A_77 = tpu.memref_slice %arg6[%dma_wait3A_74, %dma_wait3A_75, %dma_wait3A_76] : memref<3x256x128xf32, #tpu.memory_space<vmem>> -> memref<1x128x128xf32, #tpu.memory_space<vmem>>
    %dma_wait3A_78 = tpu.memref_squeeze %dma_wait3A_77 : memref<1x128x128xf32, #tpu.memory_space<vmem>> -> memref<128x128xf32, #tpu.memory_space<vmem>>
    %dma_wait3A_79 = arith.constant 0 : i32
    %dma_wait3A_80 = tpu.memref_slice %arg5[%dma_wait3A, %dma_wait3A_79] : memref<104x128xi32, #tpu.memory_space<vmem>> -> memref<1x128xi32, #tpu.memory_space<vmem>>
    %dma_wait3A_81 = tpu.memref_squeeze %dma_wait3A_80 : memref<1x128xi32, #tpu.memory_space<vmem>> -> memref<128xi32, #tpu.memory_space<vmem>>
    %dma_wait3A_82 = arith.constant 0 : i32
    %dma_wait3A_83 = arith.constant 0 : i32
    %dma_wait3A_84 = tpu.memref_slice %arg3[%dma_wait3A_82, %dma_wait3A_83] : memref<100001x128xf32, #tpu.memory_space<hbm>> -> memref<100001x128xf32, #tpu.memory_space<hbm>>
    tpu.wait_indirect_dma semaphore(%arg7 : memref<!tpu.dma_semaphore, #tpu.memory_space<semaphore_mem>>) src(%dma_wait3A_84 : memref<100001x128xf32, #tpu.memory_space<hbm>>) dst(%dma_wait3A_78 : memref<128x128xf32, #tpu.memory_space<vmem>>)
    %dma_wait3A_85 = arith.constant 1 : i32
    %dma_wait3A_86 = arith.constant 0 : i32
    %dma_wait3A_87 = arith.constant 128 : i32
    %dma_wait3A_88 = arith.constant 0 : i32
    %dma_wait3A_89 = tpu.memref_slice %arg6[%dma_wait3A_86, %dma_wait3A_87, %dma_wait3A_88] : memref<3x256x128xf32, #tpu.memory_space<vmem>> -> memref<1x128x128xf32, #tpu.memory_space<vmem>>
    %dma_wait3A_90 = tpu.memref_squeeze %dma_wait3A_89 : memref<1x128x128xf32, #tpu.memory_space<vmem>> -> memref<128x128xf32, #tpu.memory_space<vmem>>
    %dma_wait3A_91 = arith.constant 0 : i32
    %dma_wait3A_92 = tpu.memref_slice %arg5[%dma_wait3A_85, %dma_wait3A_91] : memref<104x128xi32, #tpu.memory_space<vmem>> -> memref<1x128xi32, #tpu.memory_space<vmem>>
    %dma_wait3A_93 = tpu.memref_squeeze %dma_wait3A_92 : memref<1x128xi32, #tpu.memory_space<vmem>> -> memref<128xi32, #tpu.memory_space<vmem>>
    %dma_wait3A_94 = arith.constant 0 : i32
    %dma_wait3A_95 = arith.constant 0 : i32
    %dma_wait3A_96 = tpu.memref_slice %arg3[%dma_wait3A_94, %dma_wait3A_95] : memref<100001x128xf32, #tpu.memory_space<hbm>> -> memref<100001x128xf32, #tpu.memory_space<hbm>>
    tpu.wait_indirect_dma semaphore(%arg7 : memref<!tpu.dma_semaphore, #tpu.memory_space<semaphore_mem>>) src(%dma_wait3A_96 : memref<100001x128xf32, #tpu.memory_space<hbm>>) dst(%dma_wait3A_90 : memref<128x128xf32, #tpu.memory_space<vmem>>)
    %add3A_97 = arith.constant 0 : i32
    %add3A_98 = arith.addi %mul3A_2, %add3A_97 : i32
    %dma_start3A_99 = arith.constant 0 : i32
    %dma_start3A_100 = arith.constant 0 : i32
    %dma_start3A_101 = arith.constant 0 : i32
    %dma_start3A_102 = tpu.memref_slice %arg6[%dma_start3A_99, %dma_start3A_100, %dma_start3A_101] : memref<3x256x128xf32, #tpu.memory_space<vmem>> -> memref<1x256x128xf32, #tpu.memory_space<vmem>>
    %dma_start3A_103 = tpu.memref_squeeze %dma_start3A_102 : memref<1x256x128xf32, #tpu.memory_space<vmem>> -> memref<256x128xf32, #tpu.memory_space<vmem>>
    %dma_start3A_104 = arith.constant 0 : i32
    %dma_start3A_105 = tpu.memref_slice %arg4[%add3A_98, %dma_start3A_104] : memref<425984x128xf32, #tpu.memory_space<hbm>> -> memref<256x128xf32, #tpu.memory_space<hbm>>
    %dma_start3A_106 = arith.constant 0 : i32
    %dma_start3A_107 = tpu.memref_slice %arg4[%add3A_98, %dma_start3A_106] : memref<425984x128xf32, #tpu.memory_space<hbm>> -> memref<256x128xf32, #tpu.memory_space<hbm>>
    %dma_start3A_108 = arith.constant 0 : i32
    %dma_start3A_109 = arith.constant 0 : i32
    %dma_start3A_110 = tpu.memref_slice %arg6[%dma_start3A_99, %dma_start3A_108, %dma_start3A_109] : memref<3x256x128xf32, #tpu.memory_space<vmem>> -> memref<1x256x128xf32, #tpu.memory_space<vmem>>
    %dma_start3A_111 = tpu.memref_squeeze %dma_start3A_110 : memref<1x256x128xf32, #tpu.memory_space<vmem>> -> memref<256x128xf32, #tpu.memory_space<vmem>>
    tpu.enqueue_dma source(%dma_start3A_111 : memref<256x128xf32, #tpu.memory_space<vmem>>) target(%dma_start3A_107 : memref<256x128xf32, #tpu.memory_space<hbm>>) target_semaphore(%arg8 : memref<!tpu.dma_semaphore, #tpu.memory_space<semaphore_mem>>)
    %dma_wait3A_112 = arith.constant 2 : i32
    %dma_wait3A_113 = arith.constant 1 : i32
    %dma_wait3A_114 = arith.constant 0 : i32
    %dma_wait3A_115 = arith.constant 0 : i32
    %dma_wait3A_116 = tpu.memref_slice %arg6[%dma_wait3A_113, %dma_wait3A_114, %dma_wait3A_115] : memref<3x256x128xf32, #tpu.memory_space<vmem>> -> memref<1x128x128xf32, #tpu.memory_space<vmem>>
    %dma_wait3A_117 = tpu.memref_squeeze %dma_wait3A_116 : memref<1x128x128xf32, #tpu.memory_space<vmem>> -> memref<128x128xf32, #tpu.memory_space<vmem>>
    %dma_wait3A_118 = arith.constant 0 : i32
    %dma_wait3A_119 = tpu.memref_slice %arg5[%dma_wait3A_112, %dma_wait3A_118] : memref<104x128xi32, #tpu.memory_space<vmem>> -> memref<1x128xi32, #tpu.memory_space<vmem>>
    %dma_wait3A_120 = tpu.memref_squeeze %dma_wait3A_119 : memref<1x128xi32, #tpu.memory_space<vmem>> -> memref<128xi32, #tpu.memory_space<vmem>>
    %dma_wait3A_121 = arith.constant 0 : i32
    %dma_wait3A_122 = arith.constant 0 : i32
    %dma_wait3A_123 = tpu.memref_slice %arg3[%dma_wait3A_121, %dma_wait3A_122] : memref<100001x128xf32, #tpu.memory_space<hbm>> -> memref<100001x128xf32, #tpu.memory_space<hbm>>
    tpu.wait_indirect_dma semaphore(%arg7 : memref<!tpu.dma_semaphore, #tpu.memory_space<semaphore_mem>>) src(%dma_wait3A_123 : memref<100001x128xf32, #tpu.memory_space<hbm>>) dst(%dma_wait3A_117 : memref<128x128xf32, #tpu.memory_space<vmem>>)
    %dma_wait3A_124 = arith.constant 3 : i32
    %dma_wait3A_125 = arith.constant 1 : i32
    %dma_wait3A_126 = arith.constant 128 : i32
    %dma_wait3A_127 = arith.constant 0 : i32
    %dma_wait3A_128 = tpu.memref_slice %arg6[%dma_wait3A_125, %dma_wait3A_126, %dma_wait3A_127] : memref<3x256x128xf32, #tpu.memory_space<vmem>> -> memref<1x128x128xf32, #tpu.memory_space<vmem>>
    %dma_wait3A_129 = tpu.memref_squeeze %dma_wait3A_128 : memref<1x128x128xf32, #tpu.memory_space<vmem>> -> memref<128x128xf32, #tpu.memory_space<vmem>>
    %dma_wait3A_130 = arith.constant 0 : i32
    %dma_wait3A_131 = tpu.memref_slice %arg5[%dma_wait3A_124, %dma_wait3A_130] : memref<104x128xi32, #tpu.memory_space<vmem>> -> memref<1x128xi32, #tpu.memory_space<vmem>>
    %dma_wait3A_132 = tpu.memref_squeeze %dma_wait3A_131 : memref<1x128xi32, #tpu.memory_space<vmem>> -> memref<128xi32, #tpu.memory_space<vmem>>
    %dma_wait3A_133 = arith.constant 0 : i32
    %dma_wait3A_134 = arith.constant 0 : i32
    %dma_wait3A_135 = tpu.memref_slice %arg3[%dma_wait3A_133, %dma_wait3A_134] : memref<100001x128xf32, #tpu.memory_space<hbm>> -> memref<100001x128xf32, #tpu.memory_space<hbm>>
    tpu.wait_indirect_dma semaphore(%arg7 : memref<!tpu.dma_semaphore, #tpu.memory_space<semaphore_mem>>) src(%dma_wait3A_135 : memref<100001x128xf32, #tpu.memory_space<hbm>>) dst(%dma_wait3A_129 : memref<128x128xf32, #tpu.memory_space<vmem>>)
    %add3A_136 = arith.constant 256 : i32
    %add3A_137 = arith.addi %mul3A_2, %add3A_136 : i32
    %dma_start3A_138 = arith.constant 1 : i32
    %dma_start3A_139 = arith.constant 0 : i32
    %dma_start3A_140 = arith.constant 0 : i32
    %dma_start3A_141 = tpu.memref_slice %arg6[%dma_start3A_138, %dma_start3A_139, %dma_start3A_140] : memref<3x256x128xf32, #tpu.memory_space<vmem>> -> memref<1x256x128xf32, #tpu.memory_space<vmem>>
    %dma_start3A_142 = tpu.memref_squeeze %dma_start3A_141 : memref<1x256x128xf32, #tpu.memory_space<vmem>> -> memref<256x128xf32, #tpu.memory_space<vmem>>
    %dma_start3A_143 = arith.constant 0 : i32
    %dma_start3A_144 = tpu.memref_slice %arg4[%add3A_137, %dma_start3A_143] : memref<425984x128xf32, #tpu.memory_space<hbm>> -> memref<256x128xf32, #tpu.memory_space<hbm>>
    %dma_start3A_145 = arith.constant 0 : i32
    %dma_start3A_146 = tpu.memref_slice %arg4[%add3A_137, %dma_start3A_145] : memref<425984x128xf32, #tpu.memory_space<hbm>> -> memref<256x128xf32, #tpu.memory_space<hbm>>
    %dma_start3A_147 = arith.constant 0 : i32
    %dma_start3A_148 = arith.constant 0 : i32
    %dma_start3A_149 = tpu.memref_slice %arg6[%dma_start3A_138, %dma_start3A_147, %dma_start3A_148] : memref<3x256x128xf32, #tpu.memory_space<vmem>> -> memref<1x256x128xf32, #tpu.memory_space<vmem>>
    %dma_start3A_150 = tpu.memref_squeeze %dma_start3A_149 : memref<1x256x128xf32, #tpu.memory_space<vmem>> -> memref<256x128xf32, #tpu.memory_space<vmem>>
    tpu.enqueue_dma source(%dma_start3A_150 : memref<256x128xf32, #tpu.memory_space<vmem>>) target(%dma_start3A_146 : memref<256x128xf32, #tpu.memory_space<hbm>>) target_semaphore(%arg8 : memref<!tpu.dma_semaphore, #tpu.memory_space<semaphore_mem>>)
    %dma_wait3A_151 = arith.constant 4 : i32
    %dma_wait3A_152 = arith.constant 2 : i32
    %dma_wait3A_153 = arith.constant 0 : i32
    %dma_wait3A_154 = arith.constant 0 : i32
    %dma_wait3A_155 = tpu.memref_slice %arg6[%dma_wait3A_152, %dma_wait3A_153, %dma_wait3A_154] : memref<3x256x128xf32, #tpu.memory_space<vmem>> -> memref<1x128x128xf32, #tpu.memory_space<vmem>>
    %dma_wait3A_156 = tpu.memref_squeeze %dma_wait3A_155 : memref<1x128x128xf32, #tpu.memory_space<vmem>> -> memref<128x128xf32, #tpu.memory_space<vmem>>
    %dma_wait3A_157 = arith.constant 0 : i32
    %dma_wait3A_158 = tpu.memref_slice %arg5[%dma_wait3A_151, %dma_wait3A_157] : memref<104x128xi32, #tpu.memory_space<vmem>> -> memref<1x128xi32, #tpu.memory_space<vmem>>
    %dma_wait3A_159 = tpu.memref_squeeze %dma_wait3A_158 : memref<1x128xi32, #tpu.memory_space<vmem>> -> memref<128xi32, #tpu.memory_space<vmem>>
    %dma_wait3A_160 = arith.constant 0 : i32
    %dma_wait3A_161 = arith.constant 0 : i32
    %dma_wait3A_162 = tpu.memref_slice %arg3[%dma_wait3A_160, %dma_wait3A_161] : memref<100001x128xf32, #tpu.memory_space<hbm>> -> memref<100001x128xf32, #tpu.memory_space<hbm>>
    tpu.wait_indirect_dma semaphore(%arg7 : memref<!tpu.dma_semaphore, #tpu.memory_space<semaphore_mem>>) src(%dma_wait3A_162 : memref<100001x128xf32, #tpu.memory_space<hbm>>) dst(%dma_wait3A_156 : memref<128x128xf32, #tpu.memory_space<vmem>>)
    %dma_wait3A_163 = arith.constant 5 : i32
    %dma_wait3A_164 = arith.constant 2 : i32
    %dma_wait3A_165 = arith.constant 128 : i32
    %dma_wait3A_166 = arith.constant 0 : i32
    %dma_wait3A_167 = tpu.memref_slice %arg6[%dma_wait3A_164, %dma_wait3A_165, %dma_wait3A_166] : memref<3x256x128xf32, #tpu.memory_space<vmem>> -> memref<1x128x128xf32, #tpu.memory_space<vmem>>
    %dma_wait3A_168 = tpu.memref_squeeze %dma_wait3A_167 : memref<1x128x128xf32, #tpu.memory_space<vmem>> -> memref<128x128xf32, #tpu.memory_space<vmem>>
    %dma_wait3A_169 = arith.constant 0 : i32
    %dma_wait3A_170 = tpu.memref_slice %arg5[%dma_wait3A_163, %dma_wait3A_169] : memref<104x128xi32, #tpu.memory_space<vmem>> -> memref<1x128xi32, #tpu.memory_space<vmem>>
    %dma_wait3A_171 = tpu.memref_squeeze %dma_wait3A_170 : memref<1x128xi32, #tpu.memory_space<vmem>> -> memref<128xi32, #tpu.memory_space<vmem>>
    %dma_wait3A_172 = arith.constant 0 : i32
    %dma_wait3A_173 = arith.constant 0 : i32
    %dma_wait3A_174 = tpu.memref_slice %arg3[%dma_wait3A_172, %dma_wait3A_173] : memref<100001x128xf32, #tpu.memory_space<hbm>> -> memref<100001x128xf32, #tpu.memory_space<hbm>>
    tpu.wait_indirect_dma semaphore(%arg7 : memref<!tpu.dma_semaphore, #tpu.memory_space<semaphore_mem>>) src(%dma_wait3A_174 : memref<100001x128xf32, #tpu.memory_space<hbm>>) dst(%dma_wait3A_168 : memref<128x128xf32, #tpu.memory_space<vmem>>)
    %add3A_175 = arith.constant 512 : i32
    %add3A_176 = arith.addi %mul3A_2, %add3A_175 : i32
    %dma_start3A_177 = arith.constant 2 : i32
    %dma_start3A_178 = arith.constant 0 : i32
    %dma_start3A_179 = arith.constant 0 : i32
    %dma_start3A_180 = tpu.memref_slice %arg6[%dma_start3A_177, %dma_start3A_178, %dma_start3A_179] : memref<3x256x128xf32, #tpu.memory_space<vmem>> -> memref<1x256x128xf32, #tpu.memory_space<vmem>>
    %dma_start3A_181 = tpu.memref_squeeze %dma_start3A_180 : memref<1x256x128xf32, #tpu.memory_space<vmem>> -> memref<256x128xf32, #tpu.memory_space<vmem>>
    %dma_start3A_182 = arith.constant 0 : i32
    %dma_start3A_183 = tpu.memref_slice %arg4[%add3A_176, %dma_start3A_182] : memref<425984x128xf32, #tpu.memory_space<hbm>> -> memref<256x128xf32, #tpu.memory_space<hbm>>
    %dma_start3A_184 = arith.constant 0 : i32
    %dma_start3A_185 = tpu.memref_slice %arg4[%add3A_176, %dma_start3A_184] : memref<425984x128xf32, #tpu.memory_space<hbm>> -> memref<256x128xf32, #tpu.memory_space<hbm>>
    %dma_start3A_186 = arith.constant 0 : i32
    %dma_start3A_187 = arith.constant 0 : i32
    %dma_start3A_188 = tpu.memref_slice %arg6[%dma_start3A_177, %dma_start3A_186, %dma_start3A_187] : memref<3x256x128xf32, #tpu.memory_space<vmem>> -> memref<1x256x128xf32, #tpu.memory_space<vmem>>
    %dma_start3A_189 = tpu.memref_squeeze %dma_start3A_188 : memref<1x256x128xf32, #tpu.memory_space<vmem>> -> memref<256x128xf32, #tpu.memory_space<vmem>>
    tpu.enqueue_dma source(%dma_start3A_189 : memref<256x128xf32, #tpu.memory_space<vmem>>) target(%dma_start3A_185 : memref<256x128xf32, #tpu.memory_space<hbm>>) target_semaphore(%arg8 : memref<!tpu.dma_semaphore, #tpu.memory_space<semaphore_mem>>)
    %scan3A = arith.constant 0 : i32
    %scan3A_190 = arith.constant 1 : i32
    %scan3A_191 = arith.constant 16 : i32
    %scan3A_192 = arith.addi %scan3A_190, %scan3A_191 : i32
    %scan3A_193 = arith.constant 1 : i32
    scf.for %scan3A_310 = %scan3A_190 to %scan3A_192 step %scan3A_193  : i32 {
      %mul3A_311 = arith.constant 3 : i32
      %mul3A_312 = arith.muli %scan3A_310, %mul3A_311 : i32
      %dma_wait3A_313 = arith.constant 0 : i32
      %dma_wait3A_314 = arith.constant 0 : i32
      %dma_wait3A_315 = arith.constant 0 : i32
      %dma_wait3A_316 = tpu.memref_slice %arg6[%dma_wait3A_313, %dma_wait3A_314, %dma_wait3A_315] : memref<3x256x128xf32, #tpu.memory_space<vmem>> -> memref<1x256x128xf32, #tpu.memory_space<vmem>>
      %dma_wait3A_317 = tpu.memref_squeeze %dma_wait3A_316 : memref<1x256x128xf32, #tpu.memory_space<vmem>> -> memref<256x128xf32, #tpu.memory_space<vmem>>
      %dma_wait3A_318 = arith.constant 0 : i32
      %dma_wait3A_319 = tpu.memref_slice %arg4[%mul3A_2, %dma_wait3A_318] : memref<425984x128xf32, #tpu.memory_space<hbm>> -> memref<256x128xf32, #tpu.memory_space<hbm>>
      %dma_wait3A_320 = arith.constant 0 : i32
      %dma_wait3A_321 = tpu.memref_slice %arg4[%mul3A_2, %dma_wait3A_320] : memref<425984x128xf32, #tpu.memory_space<hbm>> -> memref<256x128xf32, #tpu.memory_space<hbm>>
      %dma_wait3A_322 = arith.constant 0 : i32
      %dma_wait3A_323 = arith.constant 0 : i32
      %dma_wait3A_324 = tpu.memref_slice %arg6[%dma_wait3A_313, %dma_wait3A_322, %dma_wait3A_323] : memref<3x256x128xf32, #tpu.memory_space<vmem>> -> memref<1x256x128xf32, #tpu.memory_space<vmem>>
      %dma_wait3A_325 = tpu.memref_squeeze %dma_wait3A_324 : memref<1x256x128xf32, #tpu.memory_space<vmem>> -> memref<256x128xf32, #tpu.memory_space<vmem>>
      tpu.wait_dma2 semaphore(%arg8 : memref<!tpu.dma_semaphore, #tpu.memory_space<semaphore_mem>>) src(%dma_wait3A_325 : memref<256x128xf32, #tpu.memory_space<vmem>>) dst(%dma_wait3A_321 : memref<256x128xf32, #tpu.memory_space<hbm>>)
      %add3A_326 = arith.constant 0 : i32
      %add3A_327 = arith.addi %mul3A_312, %add3A_326 : i32
      %mul3A_328 = arith.constant 2 : i32
      %mul3A_329 = arith.muli %mul3A_328, %add3A_327 : i32
      %dma_start3A_330 = arith.constant 0 : i32
      %dma_start3A_331 = arith.constant 0 : i32
      %dma_start3A_332 = arith.constant 0 : i32
      %dma_start3A_333 = tpu.memref_slice %arg6[%dma_start3A_330, %dma_start3A_331, %dma_start3A_332] : memref<3x256x128xf32, #tpu.memory_space<vmem>> -> memref<1x128x128xf32, #tpu.memory_space<vmem>>
      %dma_start3A_334 = tpu.memref_squeeze %dma_start3A_333 : memref<1x128x128xf32, #tpu.memory_space<vmem>> -> memref<128x128xf32, #tpu.memory_space<vmem>>
      %dma_start3A_335 = arith.constant 0 : i32
      %dma_start3A_336 = tpu.memref_slice %arg5[%mul3A_329, %dma_start3A_335] : memref<104x128xi32, #tpu.memory_space<vmem>> -> memref<1x128xi32, #tpu.memory_space<vmem>>
      %dma_start3A_337 = tpu.memref_squeeze %dma_start3A_336 : memref<1x128xi32, #tpu.memory_space<vmem>> -> memref<128xi32, #tpu.memory_space<vmem>>
      %dma_start3A_338 = arith.constant 0 : i32
      %dma_start3A_339 = arith.constant 0 : i32
      %dma_start3A_340 = tpu.memref_slice %arg3[%dma_start3A_338, %dma_start3A_339] : memref<100001x128xf32, #tpu.memory_space<hbm>> -> memref<100001x128xf32, #tpu.memory_space<hbm>>
      tpu.enqueue_indirect_dma source(%dma_start3A_340 : memref<100001x128xf32, #tpu.memory_space<hbm>>) target(%dma_start3A_334 : memref<128x128xf32, #tpu.memory_space<vmem>>) offsets(%dma_start3A_337 : memref<128xi32, #tpu.memory_space<vmem>>) semaphore(%arg7 : memref<!tpu.dma_semaphore, #tpu.memory_space<semaphore_mem>>)
      %mul3A_341 = arith.constant 2 : i32
      %mul3A_342 = arith.muli %mul3A_341, %add3A_327 : i32
      %add3A_343 = arith.constant 1 : i32
      %add3A_344 = arith.addi %mul3A_342, %add3A_343 : i32
      %dma_start3A_345 = arith.constant 0 : i32
      %dma_start3A_346 = arith.constant 128 : i32
      %dma_start3A_347 = arith.constant 0 : i32
      %dma_start3A_348 = tpu.memref_slice %arg6[%dma_start3A_345, %dma_start3A_346, %dma_start3A_347] : memref<3x256x128xf32, #tpu.memory_space<vmem>> -> memref<1x128x128xf32, #tpu.memory_space<vmem>>
      %dma_start3A_349 = tpu.memref_squeeze %dma_start3A_348 : memref<1x128x128xf32, #tpu.memory_space<vmem>> -> memref<128x128xf32, #tpu.memory_space<vmem>>
      %dma_start3A_350 = arith.constant 0 : i32
      %dma_start3A_351 = tpu.memref_slice %arg5[%add3A_344, %dma_start3A_350] : memref<104x128xi32, #tpu.memory_space<vmem>> -> memref<1x128xi32, #tpu.memory_space<vmem>>
      %dma_start3A_352 = tpu.memref_squeeze %dma_start3A_351 : memref<1x128xi32, #tpu.memory_space<vmem>> -> memref<128xi32, #tpu.memory_space<vmem>>
      %dma_start3A_353 = arith.constant 0 : i32
      %dma_start3A_354 = arith.constant 0 : i32
      %dma_start3A_355 = tpu.memref_slice %arg3[%dma_start3A_353, %dma_start3A_354] : memref<100001x128xf32, #tpu.memory_space<hbm>> -> memref<100001x128xf32, #tpu.memory_space<hbm>>
      tpu.enqueue_indirect_dma source(%dma_start3A_355 : memref<100001x128xf32, #tpu.memory_space<hbm>>) target(%dma_start3A_349 : memref<128x128xf32, #tpu.memory_space<vmem>>) offsets(%dma_start3A_352 : memref<128xi32, #tpu.memory_space<vmem>>) semaphore(%arg7 : memref<!tpu.dma_semaphore, #tpu.memory_space<semaphore_mem>>)
      %dma_wait3A_356 = arith.constant 0 : i32
      %dma_wait3A_357 = arith.constant 0 : i32
      %dma_wait3A_358 = arith.constant 0 : i32
      %dma_wait3A_359 = tpu.memref_slice %arg6[%dma_wait3A_356, %dma_wait3A_357, %dma_wait3A_358] : memref<3x256x128xf32, #tpu.memory_space<vmem>> -> memref<1x256x128xf32, #tpu.memory_space<vmem>>
      %dma_wait3A_360 = tpu.memref_squeeze %dma_wait3A_359 : memref<1x256x128xf32, #tpu.memory_space<vmem>> -> memref<256x128xf32, #tpu.memory_space<vmem>>
      %dma_wait3A_361 = arith.constant 0 : i32
      %dma_wait3A_362 = tpu.memref_slice %arg4[%mul3A_2, %dma_wait3A_361] : memref<425984x128xf32, #tpu.memory_space<hbm>> -> memref<256x128xf32, #tpu.memory_space<hbm>>
      %dma_wait3A_363 = arith.constant 0 : i32
      %dma_wait3A_364 = tpu.memref_slice %arg4[%mul3A_2, %dma_wait3A_363] : memref<425984x128xf32, #tpu.memory_space<hbm>> -> memref<256x128xf32, #tpu.memory_space<hbm>>
      %dma_wait3A_365 = arith.constant 0 : i32
      %dma_wait3A_366 = arith.constant 0 : i32
      %dma_wait3A_367 = tpu.memref_slice %arg6[%dma_wait3A_356, %dma_wait3A_365, %dma_wait3A_366] : memref<3x256x128xf32, #tpu.memory_space<vmem>> -> memref<1x256x128xf32, #tpu.memory_space<vmem>>
      %dma_wait3A_368 = tpu.memref_squeeze %dma_wait3A_367 : memref<1x256x128xf32, #tpu.memory_space<vmem>> -> memref<256x128xf32, #tpu.memory_space<vmem>>
      tpu.wait_dma2 semaphore(%arg8 : memref<!tpu.dma_semaphore, #tpu.memory_space<semaphore_mem>>) src(%dma_wait3A_368 : memref<256x128xf32, #tpu.memory_space<vmem>>) dst(%dma_wait3A_364 : memref<256x128xf32, #tpu.memory_space<hbm>>)
      %add3A_369 = arith.constant 1 : i32
      %add3A_370 = arith.addi %mul3A_312, %add3A_369 : i32
      %mul3A_371 = arith.constant 2 : i32
      %mul3A_372 = arith.muli %mul3A_371, %add3A_370 : i32
      %dma_start3A_373 = arith.constant 1 : i32
      %dma_start3A_374 = arith.constant 0 : i32
      %dma_start3A_375 = arith.constant 0 : i32
      %dma_start3A_376 = tpu.memref_slice %arg6[%dma_start3A_373, %dma_start3A_374, %dma_start3A_375] : memref<3x256x128xf32, #tpu.memory_space<vmem>> -> memref<1x128x128xf32, #tpu.memory_space<vmem>>
      %dma_start3A_377 = tpu.memref_squeeze %dma_start3A_376 : memref<1x128x128xf32, #tpu.memory_space<vmem>> -> memref<128x128xf32, #tpu.memory_space<vmem>>
      %dma_start3A_378 = arith.constant 0 : i32
      %dma_start3A_379 = tpu.memref_slice %arg5[%mul3A_372, %dma_start3A_378] : memref<104x128xi32, #tpu.memory_space<vmem>> -> memref<1x128xi32, #tpu.memory_space<vmem>>
      %dma_start3A_380 = tpu.memref_squeeze %dma_start3A_379 : memref<1x128xi32, #tpu.memory_space<vmem>> -> memref<128xi32, #tpu.memory_space<vmem>>
      %dma_start3A_381 = arith.constant 0 : i32
      %dma_start3A_382 = arith.constant 0 : i32
      %dma_start3A_383 = tpu.memref_slice %arg3[%dma_start3A_381, %dma_start3A_382] : memref<100001x128xf32, #tpu.memory_space<hbm>> -> memref<100001x128xf32, #tpu.memory_space<hbm>>
      tpu.enqueue_indirect_dma source(%dma_start3A_383 : memref<100001x128xf32, #tpu.memory_space<hbm>>) target(%dma_start3A_377 : memref<128x128xf32, #tpu.memory_space<vmem>>) offsets(%dma_start3A_380 : memref<128xi32, #tpu.memory_space<vmem>>) semaphore(%arg7 : memref<!tpu.dma_semaphore, #tpu.memory_space<semaphore_mem>>)
      %mul3A_384 = arith.constant 2 : i32
      %mul3A_385 = arith.muli %mul3A_384, %add3A_370 : i32
      %add3A_386 = arith.constant 1 : i32
      %add3A_387 = arith.addi %mul3A_385, %add3A_386 : i32
      %dma_start3A_388 = arith.constant 1 : i32
      %dma_start3A_389 = arith.constant 128 : i32
      %dma_start3A_390 = arith.constant 0 : i32
      %dma_start3A_391 = tpu.memref_slice %arg6[%dma_start3A_388, %dma_start3A_389, %dma_start3A_390] : memref<3x256x128xf32, #tpu.memory_space<vmem>> -> memref<1x128x128xf32, #tpu.memory_space<vmem>>
      %dma_start3A_392 = tpu.memref_squeeze %dma_start3A_391 : memref<1x128x128xf32, #tpu.memory_space<vmem>> -> memref<128x128xf32, #tpu.memory_space<vmem>>
      %dma_start3A_393 = arith.constant 0 : i32
      %dma_start3A_394 = tpu.memref_slice %arg5[%add3A_387, %dma_start3A_393] : memref<104x128xi32, #tpu.memory_space<vmem>> -> memref<1x128xi32, #tpu.memory_space<vmem>>
      %dma_start3A_395 = tpu.memref_squeeze %dma_start3A_394 : memref<1x128xi32, #tpu.memory_space<vmem>> -> memref<128xi32, #tpu.memory_space<vmem>>
      %dma_start3A_396 = arith.constant 0 : i32
      %dma_start3A_397 = arith.constant 0 : i32
      %dma_start3A_398 = tpu.memref_slice %arg3[%dma_start3A_396, %dma_start3A_397] : memref<100001x128xf32, #tpu.memory_space<hbm>> -> memref<100001x128xf32, #tpu.memory_space<hbm>>
      tpu.enqueue_indirect_dma source(%dma_start3A_398 : memref<100001x128xf32, #tpu.memory_space<hbm>>) target(%dma_start3A_392 : memref<128x128xf32, #tpu.memory_space<vmem>>) offsets(%dma_start3A_395 : memref<128xi32, #tpu.memory_space<vmem>>) semaphore(%arg7 : memref<!tpu.dma_semaphore, #tpu.memory_space<semaphore_mem>>)
      %dma_wait3A_399 = arith.constant 0 : i32
      %dma_wait3A_400 = arith.constant 0 : i32
      %dma_wait3A_401 = arith.constant 0 : i32
      %dma_wait3A_402 = tpu.memref_slice %arg6[%dma_wait3A_399, %dma_wait3A_400, %dma_wait3A_401] : memref<3x256x128xf32, #tpu.memory_space<vmem>> -> memref<1x256x128xf32, #tpu.memory_space<vmem>>
      %dma_wait3A_403 = tpu.memref_squeeze %dma_wait3A_402 : memref<1x256x128xf32, #tpu.memory_space<vmem>> -> memref<256x128xf32, #tpu.memory_space<vmem>>
      %dma_wait3A_404 = arith.constant 0 : i32
      %dma_wait3A_405 = tpu.memref_slice %arg4[%mul3A_2, %dma_wait3A_404] : memref<425984x128xf32, #tpu.memory_space<hbm>> -> memref<256x128xf32, #tpu.memory_space<hbm>>
      %dma_wait3A_406 = arith.constant 0 : i32
      %dma_wait3A_407 = tpu.memref_slice %arg4[%mul3A_2, %dma_wait3A_406] : memref<425984x128xf32, #tpu.memory_space<hbm>> -> memref<256x128xf32, #tpu.memory_space<hbm>>
      %dma_wait3A_408 = arith.constant 0 : i32
      %dma_wait3A_409 = arith.constant 0 : i32
      %dma_wait3A_410 = tpu.memref_slice %arg6[%dma_wait3A_399, %dma_wait3A_408, %dma_wait3A_409] : memref<3x256x128xf32, #tpu.memory_space<vmem>> -> memref<1x256x128xf32, #tpu.memory_space<vmem>>
      %dma_wait3A_411 = tpu.memref_squeeze %dma_wait3A_410 : memref<1x256x128xf32, #tpu.memory_space<vmem>> -> memref<256x128xf32, #tpu.memory_space<vmem>>
      tpu.wait_dma2 semaphore(%arg8 : memref<!tpu.dma_semaphore, #tpu.memory_space<semaphore_mem>>) src(%dma_wait3A_411 : memref<256x128xf32, #tpu.memory_space<vmem>>) dst(%dma_wait3A_407 : memref<256x128xf32, #tpu.memory_space<hbm>>)
      %add3A_412 = arith.constant 2 : i32
      %add3A_413 = arith.addi %mul3A_312, %add3A_412 : i32
      %mul3A_414 = arith.constant 2 : i32
      %mul3A_415 = arith.muli %mul3A_414, %add3A_413 : i32
      %dma_start3A_416 = arith.constant 2 : i32
      %dma_start3A_417 = arith.constant 0 : i32
      %dma_start3A_418 = arith.constant 0 : i32
      %dma_start3A_419 = tpu.memref_slice %arg6[%dma_start3A_416, %dma_start3A_417, %dma_start3A_418] : memref<3x256x128xf32, #tpu.memory_space<vmem>> -> memref<1x128x128xf32, #tpu.memory_space<vmem>>
      %dma_start3A_420 = tpu.memref_squeeze %dma_start3A_419 : memref<1x128x128xf32, #tpu.memory_space<vmem>> -> memref<128x128xf32, #tpu.memory_space<vmem>>
      %dma_start3A_421 = arith.constant 0 : i32
      %dma_start3A_422 = tpu.memref_slice %arg5[%mul3A_415, %dma_start3A_421] : memref<104x128xi32, #tpu.memory_space<vmem>> -> memref<1x128xi32, #tpu.memory_space<vmem>>
      %dma_start3A_423 = tpu.memref_squeeze %dma_start3A_422 : memref<1x128xi32, #tpu.memory_space<vmem>> -> memref<128xi32, #tpu.memory_space<vmem>>
      %dma_start3A_424 = arith.constant 0 : i32
      %dma_start3A_425 = arith.constant 0 : i32
      %dma_start3A_426 = tpu.memref_slice %arg3[%dma_start3A_424, %dma_start3A_425] : memref<100001x128xf32, #tpu.memory_space<hbm>> -> memref<100001x128xf32, #tpu.memory_space<hbm>>
      tpu.enqueue_indirect_dma source(%dma_start3A_426 : memref<100001x128xf32, #tpu.memory_space<hbm>>) target(%dma_start3A_420 : memref<128x128xf32, #tpu.memory_space<vmem>>) offsets(%dma_start3A_423 : memref<128xi32, #tpu.memory_space<vmem>>) semaphore(%arg7 : memref<!tpu.dma_semaphore, #tpu.memory_space<semaphore_mem>>)
      %mul3A_427 = arith.constant 2 : i32
      %mul3A_428 = arith.muli %mul3A_427, %add3A_413 : i32
      %add3A_429 = arith.constant 1 : i32
      %add3A_430 = arith.addi %mul3A_428, %add3A_429 : i32
      %dma_start3A_431 = arith.constant 2 : i32
      %dma_start3A_432 = arith.constant 128 : i32
      %dma_start3A_433 = arith.constant 0 : i32
      %dma_start3A_434 = tpu.memref_slice %arg6[%dma_start3A_431, %dma_start3A_432, %dma_start3A_433] : memref<3x256x128xf32, #tpu.memory_space<vmem>> -> memref<1x128x128xf32, #tpu.memory_space<vmem>>
      %dma_start3A_435 = tpu.memref_squeeze %dma_start3A_434 : memref<1x128x128xf32, #tpu.memory_space<vmem>> -> memref<128x128xf32, #tpu.memory_space<vmem>>
      %dma_start3A_436 = arith.constant 0 : i32
      %dma_start3A_437 = tpu.memref_slice %arg5[%add3A_430, %dma_start3A_436] : memref<104x128xi32, #tpu.memory_space<vmem>> -> memref<1x128xi32, #tpu.memory_space<vmem>>
      %dma_start3A_438 = tpu.memref_squeeze %dma_start3A_437 : memref<1x128xi32, #tpu.memory_space<vmem>> -> memref<128xi32, #tpu.memory_space<vmem>>
      %dma_start3A_439 = arith.constant 0 : i32
      %dma_start3A_440 = arith.constant 0 : i32
      %dma_start3A_441 = tpu.memref_slice %arg3[%dma_start3A_439, %dma_start3A_440] : memref<100001x128xf32, #tpu.memory_space<hbm>> -> memref<100001x128xf32, #tpu.memory_space<hbm>>
      tpu.enqueue_indirect_dma source(%dma_start3A_441 : memref<100001x128xf32, #tpu.memory_space<hbm>>) target(%dma_start3A_435 : memref<128x128xf32, #tpu.memory_space<vmem>>) offsets(%dma_start3A_438 : memref<128xi32, #tpu.memory_space<vmem>>) semaphore(%arg7 : memref<!tpu.dma_semaphore, #tpu.memory_space<semaphore_mem>>)
      %dma_wait3A_442 = arith.constant 0 : i32
      %dma_wait3A_443 = arith.constant 0 : i32
      %dma_wait3A_444 = arith.constant 0 : i32
      %dma_wait3A_445 = tpu.memref_slice %arg6[%dma_wait3A_442, %dma_wait3A_443, %dma_wait3A_444] : memref<3x256x128xf32, #tpu.memory_space<vmem>> -> memref<1x128x128xf32, #tpu.memory_space<vmem>>
      %dma_wait3A_446 = tpu.memref_squeeze %dma_wait3A_445 : memref<1x128x128xf32, #tpu.memory_space<vmem>> -> memref<128x128xf32, #tpu.memory_space<vmem>>
      %dma_wait3A_447 = arith.constant 0 : i32
      %dma_wait3A_448 = tpu.memref_slice %arg5[%mul3A_329, %dma_wait3A_447] : memref<104x128xi32, #tpu.memory_space<vmem>> -> memref<1x128xi32, #tpu.memory_space<vmem>>
      %dma_wait3A_449 = tpu.memref_squeeze %dma_wait3A_448 : memref<1x128xi32, #tpu.memory_space<vmem>> -> memref<128xi32, #tpu.memory_space<vmem>>
      %dma_wait3A_450 = arith.constant 0 : i32
      %dma_wait3A_451 = arith.constant 0 : i32
      %dma_wait3A_452 = tpu.memref_slice %arg3[%dma_wait3A_450, %dma_wait3A_451] : memref<100001x128xf32, #tpu.memory_space<hbm>> -> memref<100001x128xf32, #tpu.memory_space<hbm>>
      tpu.wait_indirect_dma semaphore(%arg7 : memref<!tpu.dma_semaphore, #tpu.memory_space<semaphore_mem>>) src(%dma_wait3A_452 : memref<100001x128xf32, #tpu.memory_space<hbm>>) dst(%dma_wait3A_446 : memref<128x128xf32, #tpu.memory_space<vmem>>)
      %dma_wait3A_453 = arith.constant 0 : i32
      %dma_wait3A_454 = arith.constant 128 : i32
      %dma_wait3A_455 = arith.constant 0 : i32
      %dma_wait3A_456 = tpu.memref_slice %arg6[%dma_wait3A_453, %dma_wait3A_454, %dma_wait3A_455] : memref<3x256x128xf32, #tpu.memory_space<vmem>> -> memref<1x128x128xf32, #tpu.memory_space<vmem>>
      %dma_wait3A_457 = tpu.memref_squeeze %dma_wait3A_456 : memref<1x128x128xf32, #tpu.memory_space<vmem>> -> memref<128x128xf32, #tpu.memory_space<vmem>>
      %dma_wait3A_458 = arith.constant 0 : i32
      %dma_wait3A_459 = tpu.memref_slice %arg5[%add3A_344, %dma_wait3A_458] : memref<104x128xi32, #tpu.memory_space<vmem>> -> memref<1x128xi32, #tpu.memory_space<vmem>>
      %dma_wait3A_460 = tpu.memref_squeeze %dma_wait3A_459 : memref<1x128xi32, #tpu.memory_space<vmem>> -> memref<128xi32, #tpu.memory_space<vmem>>
      %dma_wait3A_461 = arith.constant 0 : i32
      %dma_wait3A_462 = arith.constant 0 : i32
      %dma_wait3A_463 = tpu.memref_slice %arg3[%dma_wait3A_461, %dma_wait3A_462] : memref<100001x128xf32, #tpu.memory_space<hbm>> -> memref<100001x128xf32, #tpu.memory_space<hbm>>
      tpu.wait_indirect_dma semaphore(%arg7 : memref<!tpu.dma_semaphore, #tpu.memory_space<semaphore_mem>>) src(%dma_wait3A_463 : memref<100001x128xf32, #tpu.memory_space<hbm>>) dst(%dma_wait3A_457 : memref<128x128xf32, #tpu.memory_space<vmem>>)
      %add3A_464 = arith.constant 0 : i32
      %add3A_465 = arith.addi %mul3A_312, %add3A_464 : i32
      %mul3A_466 = arith.constant 256 : i32
      %mul3A_467 = arith.muli %add3A_465, %mul3A_466 : i32
      %add3A_468 = arith.addi %mul3A_2, %mul3A_467 : i32
      %dma_start3A_469 = arith.constant 0 : i32
      %dma_start3A_470 = arith.constant 0 : i32
      %dma_start3A_471 = arith.constant 0 : i32
      %dma_start3A_472 = tpu.memref_slice %arg6[%dma_start3A_469, %dma_start3A_470, %dma_start3A_471] : memref<3x256x128xf32, #tpu.memory_space<vmem>> -> memref<1x256x128xf32, #tpu.memory_space<vmem>>
      %dma_start3A_473 = tpu.memref_squeeze %dma_start3A_472 : memref<1x256x128xf32, #tpu.memory_space<vmem>> -> memref<256x128xf32, #tpu.memory_space<vmem>>
      %dma_start3A_474 = arith.constant 0 : i32
      %dma_start3A_475 = tpu.memref_slice %arg4[%add3A_468, %dma_start3A_474] : memref<425984x128xf32, #tpu.memory_space<hbm>> -> memref<256x128xf32, #tpu.memory_space<hbm>>
      %dma_start3A_476 = arith.constant 0 : i32
      %dma_start3A_477 = tpu.memref_slice %arg4[%add3A_468, %dma_start3A_476] : memref<425984x128xf32, #tpu.memory_space<hbm>> -> memref<256x128xf32, #tpu.memory_space<hbm>>
      %dma_start3A_478 = arith.constant 0 : i32
      %dma_start3A_479 = arith.constant 0 : i32
      %dma_start3A_480 = tpu.memref_slice %arg6[%dma_start3A_469, %dma_start3A_478, %dma_start3A_479] : memref<3x256x128xf32, #tpu.memory_space<vmem>> -> memref<1x256x128xf32, #tpu.memory_space<vmem>>
      %dma_start3A_481 = tpu.memref_squeeze %dma_start3A_480 : memref<1x256x128xf32, #tpu.memory_space<vmem>> -> memref<256x128xf32, #tpu.memory_space<vmem>>
      tpu.enqueue_dma source(%dma_start3A_481 : memref<256x128xf32, #tpu.memory_space<vmem>>) target(%dma_start3A_477 : memref<256x128xf32, #tpu.memory_space<hbm>>) target_semaphore(%arg8 : memref<!tpu.dma_semaphore, #tpu.memory_space<semaphore_mem>>)
      %dma_wait3A_482 = arith.constant 1 : i32
      %dma_wait3A_483 = arith.constant 0 : i32
      %dma_wait3A_484 = arith.constant 0 : i32
      %dma_wait3A_485 = tpu.memref_slice %arg6[%dma_wait3A_482, %dma_wait3A_483, %dma_wait3A_484] : memref<3x256x128xf32, #tpu.memory_space<vmem>> -> memref<1x128x128xf32, #tpu.memory_space<vmem>>
      %dma_wait3A_486 = tpu.memref_squeeze %dma_wait3A_485 : memref<1x128x128xf32, #tpu.memory_space<vmem>> -> memref<128x128xf32, #tpu.memory_space<vmem>>
      %dma_wait3A_487 = arith.constant 0 : i32
      %dma_wait3A_488 = tpu.memref_slice %arg5[%mul3A_372, %dma_wait3A_487] : memref<104x128xi32, #tpu.memory_space<vmem>> -> memref<1x128xi32, #tpu.memory_space<vmem>>
      %dma_wait3A_489 = tpu.memref_squeeze %dma_wait3A_488 : memref<1x128xi32, #tpu.memory_space<vmem>> -> memref<128xi32, #tpu.memory_space<vmem>>
      %dma_wait3A_490 = arith.constant 0 : i32
      %dma_wait3A_491 = arith.constant 0 : i32
      %dma_wait3A_492 = tpu.memref_slice %arg3[%dma_wait3A_490, %dma_wait3A_491] : memref<100001x128xf32, #tpu.memory_space<hbm>> -> memref<100001x128xf32, #tpu.memory_space<hbm>>
      tpu.wait_indirect_dma semaphore(%arg7 : memref<!tpu.dma_semaphore, #tpu.memory_space<semaphore_mem>>) src(%dma_wait3A_492 : memref<100001x128xf32, #tpu.memory_space<hbm>>) dst(%dma_wait3A_486 : memref<128x128xf32, #tpu.memory_space<vmem>>)
      %dma_wait3A_493 = arith.constant 1 : i32
      %dma_wait3A_494 = arith.constant 128 : i32
      %dma_wait3A_495 = arith.constant 0 : i32
      %dma_wait3A_496 = tpu.memref_slice %arg6[%dma_wait3A_493, %dma_wait3A_494, %dma_wait3A_495] : memref<3x256x128xf32, #tpu.memory_space<vmem>> -> memref<1x128x128xf32, #tpu.memory_space<vmem>>
      %dma_wait3A_497 = tpu.memref_squeeze %dma_wait3A_496 : memref<1x128x128xf32, #tpu.memory_space<vmem>> -> memref<128x128xf32, #tpu.memory_space<vmem>>
      %dma_wait3A_498 = arith.constant 0 : i32
      %dma_wait3A_499 = tpu.memref_slice %arg5[%add3A_387, %dma_wait3A_498] : memref<104x128xi32, #tpu.memory_space<vmem>> -> memref<1x128xi32, #tpu.memory_space<vmem>>
      %dma_wait3A_500 = tpu.memref_squeeze %dma_wait3A_499 : memref<1x128xi32, #tpu.memory_space<vmem>> -> memref<128xi32, #tpu.memory_space<vmem>>
      %dma_wait3A_501 = arith.constant 0 : i32
      %dma_wait3A_502 = arith.constant 0 : i32
      %dma_wait3A_503 = tpu.memref_slice %arg3[%dma_wait3A_501, %dma_wait3A_502] : memref<100001x128xf32, #tpu.memory_space<hbm>> -> memref<100001x128xf32, #tpu.memory_space<hbm>>
      tpu.wait_indirect_dma semaphore(%arg7 : memref<!tpu.dma_semaphore, #tpu.memory_space<semaphore_mem>>) src(%dma_wait3A_503 : memref<100001x128xf32, #tpu.memory_space<hbm>>) dst(%dma_wait3A_497 : memref<128x128xf32, #tpu.memory_space<vmem>>)
      %add3A_504 = arith.constant 1 : i32
      %add3A_505 = arith.addi %mul3A_312, %add3A_504 : i32
      %mul3A_506 = arith.constant 256 : i32
      %mul3A_507 = arith.muli %add3A_505, %mul3A_506 : i32
      %add3A_508 = arith.addi %mul3A_2, %mul3A_507 : i32
      %dma_start3A_509 = arith.constant 1 : i32
      %dma_start3A_510 = arith.constant 0 : i32
      %dma_start3A_511 = arith.constant 0 : i32
      %dma_start3A_512 = tpu.memref_slice %arg6[%dma_start3A_509, %dma_start3A_510, %dma_start3A_511] : memref<3x256x128xf32, #tpu.memory_space<vmem>> -> memref<1x256x128xf32, #tpu.memory_space<vmem>>
      %dma_start3A_513 = tpu.memref_squeeze %dma_start3A_512 : memref<1x256x128xf32, #tpu.memory_space<vmem>> -> memref<256x128xf32, #tpu.memory_space<vmem>>
      %dma_start3A_514 = arith.constant 0 : i32
      %dma_start3A_515 = tpu.memref_slice %arg4[%add3A_508, %dma_start3A_514] : memref<425984x128xf32, #tpu.memory_space<hbm>> -> memref<256x128xf32, #tpu.memory_space<hbm>>
      %dma_start3A_516 = arith.constant 0 : i32
      %dma_start3A_517 = tpu.memref_slice %arg4[%add3A_508, %dma_start3A_516] : memref<425984x128xf32, #tpu.memory_space<hbm>> -> memref<256x128xf32, #tpu.memory_space<hbm>>
      %dma_start3A_518 = arith.constant 0 : i32
      %dma_start3A_519 = arith.constant 0 : i32
      %dma_start3A_520 = tpu.memref_slice %arg6[%dma_start3A_509, %dma_start3A_518, %dma_start3A_519] : memref<3x256x128xf32, #tpu.memory_space<vmem>> -> memref<1x256x128xf32, #tpu.memory_space<vmem>>
      %dma_start3A_521 = tpu.memref_squeeze %dma_start3A_520 : memref<1x256x128xf32, #tpu.memory_space<vmem>> -> memref<256x128xf32, #tpu.memory_space<vmem>>
      tpu.enqueue_dma source(%dma_start3A_521 : memref<256x128xf32, #tpu.memory_space<vmem>>) target(%dma_start3A_517 : memref<256x128xf32, #tpu.memory_space<hbm>>) target_semaphore(%arg8 : memref<!tpu.dma_semaphore, #tpu.memory_space<semaphore_mem>>)
      %dma_wait3A_522 = arith.constant 2 : i32
      %dma_wait3A_523 = arith.constant 0 : i32
      %dma_wait3A_524 = arith.constant 0 : i32
      %dma_wait3A_525 = tpu.memref_slice %arg6[%dma_wait3A_522, %dma_wait3A_523, %dma_wait3A_524] : memref<3x256x128xf32, #tpu.memory_space<vmem>> -> memref<1x128x128xf32, #tpu.memory_space<vmem>>
      %dma_wait3A_526 = tpu.memref_squeeze %dma_wait3A_525 : memref<1x128x128xf32, #tpu.memory_space<vmem>> -> memref<128x128xf32, #tpu.memory_space<vmem>>
      %dma_wait3A_527 = arith.constant 0 : i32
      %dma_wait3A_528 = tpu.memref_slice %arg5[%mul3A_415, %dma_wait3A_527] : memref<104x128xi32, #tpu.memory_space<vmem>> -> memref<1x128xi32, #tpu.memory_space<vmem>>
      %dma_wait3A_529 = tpu.memref_squeeze %dma_wait3A_528 : memref<1x128xi32, #tpu.memory_space<vmem>> -> memref<128xi32, #tpu.memory_space<vmem>>
      %dma_wait3A_530 = arith.constant 0 : i32
      %dma_wait3A_531 = arith.constant 0 : i32
      %dma_wait3A_532 = tpu.memref_slice %arg3[%dma_wait3A_530, %dma_wait3A_531] : memref<100001x128xf32, #tpu.memory_space<hbm>> -> memref<100001x128xf32, #tpu.memory_space<hbm>>
      tpu.wait_indirect_dma semaphore(%arg7 : memref<!tpu.dma_semaphore, #tpu.memory_space<semaphore_mem>>) src(%dma_wait3A_532 : memref<100001x128xf32, #tpu.memory_space<hbm>>) dst(%dma_wait3A_526 : memref<128x128xf32, #tpu.memory_space<vmem>>)
      %dma_wait3A_533 = arith.constant 2 : i32
      %dma_wait3A_534 = arith.constant 128 : i32
      %dma_wait3A_535 = arith.constant 0 : i32
      %dma_wait3A_536 = tpu.memref_slice %arg6[%dma_wait3A_533, %dma_wait3A_534, %dma_wait3A_535] : memref<3x256x128xf32, #tpu.memory_space<vmem>> -> memref<1x128x128xf32, #tpu.memory_space<vmem>>
      %dma_wait3A_537 = tpu.memref_squeeze %dma_wait3A_536 : memref<1x128x128xf32, #tpu.memory_space<vmem>> -> memref<128x128xf32, #tpu.memory_space<vmem>>
      %dma_wait3A_538 = arith.constant 0 : i32
      %dma_wait3A_539 = tpu.memref_slice %arg5[%add3A_430, %dma_wait3A_538] : memref<104x128xi32, #tpu.memory_space<vmem>> -> memref<1x128xi32, #tpu.memory_space<vmem>>
      %dma_wait3A_540 = tpu.memref_squeeze %dma_wait3A_539 : memref<1x128xi32, #tpu.memory_space<vmem>> -> memref<128xi32, #tpu.memory_space<vmem>>
      %dma_wait3A_541 = arith.constant 0 : i32
      %dma_wait3A_542 = arith.constant 0 : i32
      %dma_wait3A_543 = tpu.memref_slice %arg3[%dma_wait3A_541, %dma_wait3A_542] : memref<100001x128xf32, #tpu.memory_space<hbm>> -> memref<100001x128xf32, #tpu.memory_space<hbm>>
      tpu.wait_indirect_dma semaphore(%arg7 : memref<!tpu.dma_semaphore, #tpu.memory_space<semaphore_mem>>) src(%dma_wait3A_543 : memref<100001x128xf32, #tpu.memory_space<hbm>>) dst(%dma_wait3A_537 : memref<128x128xf32, #tpu.memory_space<vmem>>)
      %add3A_544 = arith.constant 2 : i32
      %add3A_545 = arith.addi %mul3A_312, %add3A_544 : i32
      %mul3A_546 = arith.constant 256 : i32
      %mul3A_547 = arith.muli %add3A_545, %mul3A_546 : i32
      %add3A_548 = arith.addi %mul3A_2, %mul3A_547 : i32
      %dma_start3A_549 = arith.constant 2 : i32
      %dma_start3A_550 = arith.constant 0 : i32
      %dma_start3A_551 = arith.constant 0 : i32
      %dma_start3A_552 = tpu.memref_slice %arg6[%dma_start3A_549, %dma_start3A_550, %dma_start3A_551] : memref<3x256x128xf32, #tpu.memory_space<vmem>> -> memref<1x256x128xf32, #tpu.memory_space<vmem>>
      %dma_start3A_553 = tpu.memref_squeeze %dma_start3A_552 : memref<1x256x128xf32, #tpu.memory_space<vmem>> -> memref<256x128xf32, #tpu.memory_space<vmem>>
      %dma_start3A_554 = arith.constant 0 : i32
      %dma_start3A_555 = tpu.memref_slice %arg4[%add3A_548, %dma_start3A_554] : memref<425984x128xf32, #tpu.memory_space<hbm>> -> memref<256x128xf32, #tpu.memory_space<hbm>>
      %dma_start3A_556 = arith.constant 0 : i32
      %dma_start3A_557 = tpu.memref_slice %arg4[%add3A_548, %dma_start3A_556] : memref<425984x128xf32, #tpu.memory_space<hbm>> -> memref<256x128xf32, #tpu.memory_space<hbm>>
      %dma_start3A_558 = arith.constant 0 : i32
      %dma_start3A_559 = arith.constant 0 : i32
      %dma_start3A_560 = tpu.memref_slice %arg6[%dma_start3A_549, %dma_start3A_558, %dma_start3A_559] : memref<3x256x128xf32, #tpu.memory_space<vmem>> -> memref<1x256x128xf32, #tpu.memory_space<vmem>>
      %dma_start3A_561 = tpu.memref_squeeze %dma_start3A_560 : memref<1x256x128xf32, #tpu.memory_space<vmem>> -> memref<256x128xf32, #tpu.memory_space<vmem>>
      tpu.enqueue_dma source(%dma_start3A_561 : memref<256x128xf32, #tpu.memory_space<vmem>>) target(%dma_start3A_557 : memref<256x128xf32, #tpu.memory_space<hbm>>) target_semaphore(%arg8 : memref<!tpu.dma_semaphore, #tpu.memory_space<semaphore_mem>>)
    }
    %scan3A_194 = arith.constant 16 : i32
    %dma_wait3A_195 = arith.constant 0 : i32
    %dma_wait3A_196 = arith.constant 0 : i32
    %dma_wait3A_197 = arith.constant 0 : i32
    %dma_wait3A_198 = tpu.memref_slice %arg6[%dma_wait3A_195, %dma_wait3A_196, %dma_wait3A_197] : memref<3x256x128xf32, #tpu.memory_space<vmem>> -> memref<1x256x128xf32, #tpu.memory_space<vmem>>
    %dma_wait3A_199 = tpu.memref_squeeze %dma_wait3A_198 : memref<1x256x128xf32, #tpu.memory_space<vmem>> -> memref<256x128xf32, #tpu.memory_space<vmem>>
    %dma_wait3A_200 = arith.constant 0 : i32
    %dma_wait3A_201 = tpu.memref_slice %arg4[%mul3A_2, %dma_wait3A_200] : memref<425984x128xf32, #tpu.memory_space<hbm>> -> memref<256x128xf32, #tpu.memory_space<hbm>>
    %dma_wait3A_202 = arith.constant 0 : i32
    %dma_wait3A_203 = tpu.memref_slice %arg4[%mul3A_2, %dma_wait3A_202] : memref<425984x128xf32, #tpu.memory_space<hbm>> -> memref<256x128xf32, #tpu.memory_space<hbm>>
    %dma_wait3A_204 = arith.constant 0 : i32
    %dma_wait3A_205 = arith.constant 0 : i32
    %dma_wait3A_206 = tpu.memref_slice %arg6[%dma_wait3A_195, %dma_wait3A_204, %dma_wait3A_205] : memref<3x256x128xf32, #tpu.memory_space<vmem>> -> memref<1x256x128xf32, #tpu.memory_space<vmem>>
    %dma_wait3A_207 = tpu.memref_squeeze %dma_wait3A_206 : memref<1x256x128xf32, #tpu.memory_space<vmem>> -> memref<256x128xf32, #tpu.memory_space<vmem>>
    tpu.wait_dma2 semaphore(%arg8 : memref<!tpu.dma_semaphore, #tpu.memory_space<semaphore_mem>>) src(%dma_wait3A_207 : memref<256x128xf32, #tpu.memory_space<vmem>>) dst(%dma_wait3A_203 : memref<256x128xf32, #tpu.memory_space<hbm>>)
    %dma_start3A_208 = arith.constant 102 : i32
    %dma_start3A_209 = arith.constant 0 : i32
    %dma_start3A_210 = arith.constant 0 : i32
    %dma_start3A_211 = arith.constant 0 : i32
    %dma_start3A_212 = tpu.memref_slice %arg6[%dma_start3A_209, %dma_start3A_210, %dma_start3A_211] : memref<3x256x128xf32, #tpu.memory_space<vmem>> -> memref<1x128x128xf32, #tpu.memory_space<vmem>>
    %dma_start3A_213 = tpu.memref_squeeze %dma_start3A_212 : memref<1x128x128xf32, #tpu.memory_space<vmem>> -> memref<128x128xf32, #tpu.memory_space<vmem>>
    %dma_start3A_214 = arith.constant 0 : i32
    %dma_start3A_215 = tpu.memref_slice %arg5[%dma_start3A_208, %dma_start3A_214] : memref<104x128xi32, #tpu.memory_space<vmem>> -> memref<1x128xi32, #tpu.memory_space<vmem>>
    %dma_start3A_216 = tpu.memref_squeeze %dma_start3A_215 : memref<1x128xi32, #tpu.memory_space<vmem>> -> memref<128xi32, #tpu.memory_space<vmem>>
    %dma_start3A_217 = arith.constant 0 : i32
    %dma_start3A_218 = arith.constant 0 : i32
    %dma_start3A_219 = tpu.memref_slice %arg3[%dma_start3A_217, %dma_start3A_218] : memref<100001x128xf32, #tpu.memory_space<hbm>> -> memref<100001x128xf32, #tpu.memory_space<hbm>>
    tpu.enqueue_indirect_dma source(%dma_start3A_219 : memref<100001x128xf32, #tpu.memory_space<hbm>>) target(%dma_start3A_213 : memref<128x128xf32, #tpu.memory_space<vmem>>) offsets(%dma_start3A_216 : memref<128xi32, #tpu.memory_space<vmem>>) semaphore(%arg7 : memref<!tpu.dma_semaphore, #tpu.memory_space<semaphore_mem>>)
    %dma_start3A_220 = arith.constant 103 : i32
    %dma_start3A_221 = arith.constant 0 : i32
    %dma_start3A_222 = arith.constant 128 : i32
    %dma_start3A_223 = arith.constant 0 : i32
    %dma_start3A_224 = tpu.memref_slice %arg6[%dma_start3A_221, %dma_start3A_222, %dma_start3A_223] : memref<3x256x128xf32, #tpu.memory_space<vmem>> -> memref<1x128x128xf32, #tpu.memory_space<vmem>>
    %dma_start3A_225 = tpu.memref_squeeze %dma_start3A_224 : memref<1x128x128xf32, #tpu.memory_space<vmem>> -> memref<128x128xf32, #tpu.memory_space<vmem>>
    %dma_start3A_226 = arith.constant 0 : i32
    %dma_start3A_227 = tpu.memref_slice %arg5[%dma_start3A_220, %dma_start3A_226] : memref<104x128xi32, #tpu.memory_space<vmem>> -> memref<1x128xi32, #tpu.memory_space<vmem>>
    %dma_start3A_228 = tpu.memref_squeeze %dma_start3A_227 : memref<1x128xi32, #tpu.memory_space<vmem>> -> memref<128xi32, #tpu.memory_space<vmem>>
    %dma_start3A_229 = arith.constant 0 : i32
    %dma_start3A_230 = arith.constant 0 : i32
    %dma_start3A_231 = tpu.memref_slice %arg3[%dma_start3A_229, %dma_start3A_230] : memref<100001x128xf32, #tpu.memory_space<hbm>> -> memref<100001x128xf32, #tpu.memory_space<hbm>>
    tpu.enqueue_indirect_dma source(%dma_start3A_231 : memref<100001x128xf32, #tpu.memory_space<hbm>>) target(%dma_start3A_225 : memref<128x128xf32, #tpu.memory_space<vmem>>) offsets(%dma_start3A_228 : memref<128xi32, #tpu.memory_space<vmem>>) semaphore(%arg7 : memref<!tpu.dma_semaphore, #tpu.memory_space<semaphore_mem>>)
    %dma_wait3A_232 = arith.constant 102 : i32
    %dma_wait3A_233 = arith.constant 0 : i32
    %dma_wait3A_234 = arith.constant 0 : i32
    %dma_wait3A_235 = arith.constant 0 : i32
    %dma_wait3A_236 = tpu.memref_slice %arg6[%dma_wait3A_233, %dma_wait3A_234, %dma_wait3A_235] : memref<3x256x128xf32, #tpu.memory_space<vmem>> -> memref<1x128x128xf32, #tpu.memory_space<vmem>>
    %dma_wait3A_237 = tpu.memref_squeeze %dma_wait3A_236 : memref<1x128x128xf32, #tpu.memory_space<vmem>> -> memref<128x128xf32, #tpu.memory_space<vmem>>
    %dma_wait3A_238 = arith.constant 0 : i32
    %dma_wait3A_239 = tpu.memref_slice %arg5[%dma_wait3A_232, %dma_wait3A_238] : memref<104x128xi32, #tpu.memory_space<vmem>> -> memref<1x128xi32, #tpu.memory_space<vmem>>
    %dma_wait3A_240 = tpu.memref_squeeze %dma_wait3A_239 : memref<1x128xi32, #tpu.memory_space<vmem>> -> memref<128xi32, #tpu.memory_space<vmem>>
    %dma_wait3A_241 = arith.constant 0 : i32
    %dma_wait3A_242 = arith.constant 0 : i32
    %dma_wait3A_243 = tpu.memref_slice %arg3[%dma_wait3A_241, %dma_wait3A_242] : memref<100001x128xf32, #tpu.memory_space<hbm>> -> memref<100001x128xf32, #tpu.memory_space<hbm>>
    tpu.wait_indirect_dma semaphore(%arg7 : memref<!tpu.dma_semaphore, #tpu.memory_space<semaphore_mem>>) src(%dma_wait3A_243 : memref<100001x128xf32, #tpu.memory_space<hbm>>) dst(%dma_wait3A_237 : memref<128x128xf32, #tpu.memory_space<vmem>>)
    %dma_wait3A_244 = arith.constant 103 : i32
    %dma_wait3A_245 = arith.constant 0 : i32
    %dma_wait3A_246 = arith.constant 128 : i32
    %dma_wait3A_247 = arith.constant 0 : i32
    %dma_wait3A_248 = tpu.memref_slice %arg6[%dma_wait3A_245, %dma_wait3A_246, %dma_wait3A_247] : memref<3x256x128xf32, #tpu.memory_space<vmem>> -> memref<1x128x128xf32, #tpu.memory_space<vmem>>
    %dma_wait3A_249 = tpu.memref_squeeze %dma_wait3A_248 : memref<1x128x128xf32, #tpu.memory_space<vmem>> -> memref<128x128xf32, #tpu.memory_space<vmem>>
    %dma_wait3A_250 = arith.constant 0 : i32
    %dma_wait3A_251 = tpu.memref_slice %arg5[%dma_wait3A_244, %dma_wait3A_250] : memref<104x128xi32, #tpu.memory_space<vmem>> -> memref<1x128xi32, #tpu.memory_space<vmem>>
    %dma_wait3A_252 = tpu.memref_squeeze %dma_wait3A_251 : memref<1x128xi32, #tpu.memory_space<vmem>> -> memref<128xi32, #tpu.memory_space<vmem>>
    %dma_wait3A_253 = arith.constant 0 : i32
    %dma_wait3A_254 = arith.constant 0 : i32
    %dma_wait3A_255 = tpu.memref_slice %arg3[%dma_wait3A_253, %dma_wait3A_254] : memref<100001x128xf32, #tpu.memory_space<hbm>> -> memref<100001x128xf32, #tpu.memory_space<hbm>>
    tpu.wait_indirect_dma semaphore(%arg7 : memref<!tpu.dma_semaphore, #tpu.memory_space<semaphore_mem>>) src(%dma_wait3A_255 : memref<100001x128xf32, #tpu.memory_space<hbm>>) dst(%dma_wait3A_249 : memref<128x128xf32, #tpu.memory_space<vmem>>)
    %add3A_256 = arith.constant 13056 : i32
    %add3A_257 = arith.addi %mul3A_2, %add3A_256 : i32
    %dma_start3A_258 = arith.constant 0 : i32
    %dma_start3A_259 = arith.constant 0 : i32
    %dma_start3A_260 = arith.constant 0 : i32
    %dma_start3A_261 = tpu.memref_slice %arg6[%dma_start3A_258, %dma_start3A_259, %dma_start3A_260] : memref<3x256x128xf32, #tpu.memory_space<vmem>> -> memref<1x256x128xf32, #tpu.memory_space<vmem>>
    %dma_start3A_262 = tpu.memref_squeeze %dma_start3A_261 : memref<1x256x128xf32, #tpu.memory_space<vmem>> -> memref<256x128xf32, #tpu.memory_space<vmem>>
    %dma_start3A_263 = arith.constant 0 : i32
    %dma_start3A_264 = tpu.memref_slice %arg4[%add3A_257, %dma_start3A_263] : memref<425984x128xf32, #tpu.memory_space<hbm>> -> memref<256x128xf32, #tpu.memory_space<hbm>>
    %dma_start3A_265 = arith.constant 0 : i32
    %dma_start3A_266 = tpu.memref_slice %arg4[%add3A_257, %dma_start3A_265] : memref<425984x128xf32, #tpu.memory_space<hbm>> -> memref<256x128xf32, #tpu.memory_space<hbm>>
    %dma_start3A_267 = arith.constant 0 : i32
    %dma_start3A_268 = arith.constant 0 : i32
    %dma_start3A_269 = tpu.memref_slice %arg6[%dma_start3A_258, %dma_start3A_267, %dma_start3A_268] : memref<3x256x128xf32, #tpu.memory_space<vmem>> -> memref<1x256x128xf32, #tpu.memory_space<vmem>>
    %dma_start3A_270 = tpu.memref_squeeze %dma_start3A_269 : memref<1x256x128xf32, #tpu.memory_space<vmem>> -> memref<256x128xf32, #tpu.memory_space<vmem>>
    tpu.enqueue_dma source(%dma_start3A_270 : memref<256x128xf32, #tpu.memory_space<vmem>>) target(%dma_start3A_266 : memref<256x128xf32, #tpu.memory_space<hbm>>) target_semaphore(%arg8 : memref<!tpu.dma_semaphore, #tpu.memory_space<semaphore_mem>>)
    %dma_wait3A_271 = arith.constant 0 : i32
    %dma_wait3A_272 = arith.constant 0 : i32
    %dma_wait3A_273 = arith.constant 0 : i32
    %dma_wait3A_274 = tpu.memref_slice %arg6[%dma_wait3A_271, %dma_wait3A_272, %dma_wait3A_273] : memref<3x256x128xf32, #tpu.memory_space<vmem>> -> memref<1x256x128xf32, #tpu.memory_space<vmem>>
    %dma_wait3A_275 = tpu.memref_squeeze %dma_wait3A_274 : memref<1x256x128xf32, #tpu.memory_space<vmem>> -> memref<256x128xf32, #tpu.memory_space<vmem>>
    %dma_wait3A_276 = arith.constant 0 : i32
    %dma_wait3A_277 = tpu.memref_slice %arg4[%mul3A_2, %dma_wait3A_276] : memref<425984x128xf32, #tpu.memory_space<hbm>> -> memref<256x128xf32, #tpu.memory_space<hbm>>
    %dma_wait3A_278 = arith.constant 0 : i32
    %dma_wait3A_279 = tpu.memref_slice %arg4[%mul3A_2, %dma_wait3A_278] : memref<425984x128xf32, #tpu.memory_space<hbm>> -> memref<256x128xf32, #tpu.memory_space<hbm>>
    %dma_wait3A_280 = arith.constant 0 : i32
    %dma_wait3A_281 = arith.constant 0 : i32
    %dma_wait3A_282 = tpu.memref_slice %arg6[%dma_wait3A_271, %dma_wait3A_280, %dma_wait3A_281] : memref<3x256x128xf32, #tpu.memory_space<vmem>> -> memref<1x256x128xf32, #tpu.memory_space<vmem>>
    %dma_wait3A_283 = tpu.memref_squeeze %dma_wait3A_282 : memref<1x256x128xf32, #tpu.memory_space<vmem>> -> memref<256x128xf32, #tpu.memory_space<vmem>>
    tpu.wait_dma2 semaphore(%arg8 : memref<!tpu.dma_semaphore, #tpu.memory_space<semaphore_mem>>) src(%dma_wait3A_283 : memref<256x128xf32, #tpu.memory_space<vmem>>) dst(%dma_wait3A_279 : memref<256x128xf32, #tpu.memory_space<hbm>>)
    %dma_wait3A_284 = arith.constant 0 : i32
    %dma_wait3A_285 = arith.constant 0 : i32
    %dma_wait3A_286 = arith.constant 0 : i32
    %dma_wait3A_287 = tpu.memref_slice %arg6[%dma_wait3A_284, %dma_wait3A_285, %dma_wait3A_286] : memref<3x256x128xf32, #tpu.memory_space<vmem>> -> memref<1x256x128xf32, #tpu.memory_space<vmem>>
    %dma_wait3A_288 = tpu.memref_squeeze %dma_wait3A_287 : memref<1x256x128xf32, #tpu.memory_space<vmem>> -> memref<256x128xf32, #tpu.memory_space<vmem>>
    %dma_wait3A_289 = arith.constant 0 : i32
    %dma_wait3A_290 = tpu.memref_slice %arg4[%mul3A_2, %dma_wait3A_289] : memref<425984x128xf32, #tpu.memory_space<hbm>> -> memref<256x128xf32, #tpu.memory_space<hbm>>
    %dma_wait3A_291 = arith.constant 0 : i32
    %dma_wait3A_292 = tpu.memref_slice %arg4[%mul3A_2, %dma_wait3A_291] : memref<425984x128xf32, #tpu.memory_space<hbm>> -> memref<256x128xf32, #tpu.memory_space<hbm>>
    %dma_wait3A_293 = arith.constant 0 : i32
    %dma_wait3A_294 = arith.constant 0 : i32
    %dma_wait3A_295 = tpu.memref_slice %arg6[%dma_wait3A_284, %dma_wait3A_293, %dma_wait3A_294] : memref<3x256x128xf32, #tpu.memory_space<vmem>> -> memref<1x256x128xf32, #tpu.memory_space<vmem>>
    %dma_wait3A_296 = tpu.memref_squeeze %dma_wait3A_295 : memref<1x256x128xf32, #tpu.memory_space<vmem>> -> memref<256x128xf32, #tpu.memory_space<vmem>>
    tpu.wait_dma2 semaphore(%arg8 : memref<!tpu.dma_semaphore, #tpu.memory_space<semaphore_mem>>) src(%dma_wait3A_296 : memref<256x128xf32, #tpu.memory_space<vmem>>) dst(%dma_wait3A_292 : memref<256x128xf32, #tpu.memory_space<hbm>>)
    %dma_wait3A_297 = arith.constant 0 : i32
    %dma_wait3A_298 = arith.constant 0 : i32
    %dma_wait3A_299 = arith.constant 0 : i32
    %dma_wait3A_300 = tpu.memref_slice %arg6[%dma_wait3A_297, %dma_wait3A_298, %dma_wait3A_299] : memref<3x256x128xf32, #tpu.memory_space<vmem>> -> memref<1x256x128xf32, #tpu.memory_space<vmem>>
    %dma_wait3A_301 = tpu.memref_squeeze %dma_wait3A_300 : memref<1x256x128xf32, #tpu.memory_space<vmem>> -> memref<256x128xf32, #tpu.memory_space<vmem>>
    %dma_wait3A_302 = arith.constant 0 : i32
    %dma_wait3A_303 = tpu.memref_slice %arg4[%mul3A_2, %dma_wait3A_302] : memref<425984x128xf32, #tpu.memory_space<hbm>> -> memref<256x128xf32, #tpu.memory_space<hbm>>
    %dma_wait3A_304 = arith.constant 0 : i32
    %dma_wait3A_305 = tpu.memref_slice %arg4[%mul3A_2, %dma_wait3A_304] : memref<425984x128xf32, #tpu.memory_space<hbm>> -> memref<256x128xf32, #tpu.memory_space<hbm>>
    %dma_wait3A_306 = arith.constant 0 : i32
    %dma_wait3A_307 = arith.constant 0 : i32
    %dma_wait3A_308 = tpu.memref_slice %arg6[%dma_wait3A_297, %dma_wait3A_306, %dma_wait3A_307] : memref<3x256x128xf32, #tpu.memory_space<vmem>> -> memref<1x256x128xf32, #tpu.memory_space<vmem>>
    %dma_wait3A_309 = tpu.memref_squeeze %dma_wait3A_308 : memref<1x256x128xf32, #tpu.memory_space<vmem>> -> memref<256x128xf32, #tpu.memory_space<vmem>>
    tpu.wait_dma2 semaphore(%arg8 : memref<!tpu.dma_semaphore, #tpu.memory_space<semaphore_mem>>) src(%dma_wait3A_309 : memref<256x128xf32, #tpu.memory_space<vmem>>) dst(%dma_wait3A_305 : memref<256x128xf32, #tpu.memory_space<hbm>>)
    return
  }
}

</mosaic_0001>

<sc_bundles>
// kernel: _sc_gather.3.cloned.1.call-start
scs
__scs_entry_jumppad:
0x0: {  	(pc) =	sbr.rel $0x88, $3  }
0x1: {  	(tag) =	ssettag $0x0;
	lr =	simm.s32 $0x1  }
0x2: {  	[smem:$0x3F9F] =	sst lr;
	_ =	strace $0xD0000000  }
0x3: {  	_ = 	snop  }
0x4: {  	_ = 	snop  }
0x5: {  	_ = 	snop  }
0x6: {  	_ = 	snop  }
0x7: {  	_ = 	snop  }
__scs_overlays_trampoline_lowered:
0x8: {  	[smem:$0x3FAE] =	sst s0  }
0x9: {  	[smem:$0x3FAF] =	sst s1  }
0xa: {  	[smem:$0x3FB0] =	sst s2  }
0xb: {  	[smem:$0x3FB1] =	sst s3  }
0xc: {  	[smem:$0x3FB2] =	sst s4  }
0xd: {  	[smem:$0x3FB3] =	sst s5  }
0xe: {  	[smem:$0x3FB4] =	sst s6  }
0xf: {  	[smem:$0x3FB5] =	sst s7  }
0x10: {  	[smem:$0x3FB6] =	sst s8  }
0x11: {  	[smem:$0x3FB7] =	sst s9;
	s0 =	simm.s32 @!p0 $0x0  }
0x12: {  	s1 =	sld [smem:$0x3F9D];
	s0 =	simm.s32 @p0 $0x1  }
0x13: {  	[smem:$0x3FB8] =	sst s0;
	s0 =	simm.s32 @!p1 $0x0  }
0x14: {  	s2 =	sld [smem:$0x3F9C];
	s0 =	simm.s32 @p1 $0x1  }
0x15: {  	[smem:$0x3FB9] =	sst s0;
	s0 =	simm.s32 @!p2 $0x0  }
0x16: {  	s3 =	sld [smem:$0x3FDB];
	s0 =	simm.s32 @p2 $0x1  }
0x17: {  	s4 =	simm.s32 $0x1BF5;
	[smem:$0x3FBB] =	sst s0  }
0x18: {  	s0 =	sld [smem:$0x3F9E];
	_ =	swait.ge [sflag:s4], $0x0  }
0x19: {  	s7 =	sld [smem:$0x3F9F]  }
0x1a: {  	s8 =	sadd.s32 $0xFFFFE003, lr  }
0x1b: {  	s9 =	sadd.s32 $0xFFFFFEF7, lr;
	s5 =	simm.s32 $0xFFFFFFFF;
	p2 =	slt.u32 s8, $0xFFFFF086  }
0x1c: {  	p1 =	slt.u32 s9, $0xF7A;
	s5 =	simm.s32 @!p2 $0x0  }
0x1d: {  	s5 =	simm.s32 @p1 $0x1;
	p0 =	seq.s32 s7, s2  }
0x1e: {  	s7 =	smul.u32 @!p0 $0xF7A, s2;
	p2 =	seq.s32 @!p0 s5, $0x0  }
0x1f: {  	s9 =	smul.u32 $0xF7A, s1;
	s8 =	simm.s32 @!p0 $0x1BF5;
	p2 =	por !p2, p0  }
0x20: {  	[sflag:s8] =	ssyncset.s32 @!p0 $0xFFFFF086;
	s6 =	sadd.s32 @!p0 s3, s7;
	s7 =	simm.s32 @!p0 $0x108  }
0x21: {  	s3 =	sadd.s32 s3, s9;
	s6 =	sadd.s32 @!p0 $0x88, s6;
	s7 =	simm.s32 @p2 $0x1082  }
0x22: {  	[simem:s7], [sflag:s8] =	dma.local @!p0 [hbm:s6], $0xF7A  }
0x23: {  	s9 =	sor.u32 $0xD0000000, s2;
	s6 =	simm.s32 $0x108;
	_ =	swait.ge @!p0 [sflag:s8], $0x0  }
0x24: {  	s3 =	sadd.s32 $0x88, s3;
	s6 =	simm.s32 @!p1 $0x1082;
	[sflag:s4] =	ssyncset.s32 $0xFFFFF086  }
0x25: {  	[simem:s6], [sflag:s4] =	dma.local [hbm:s3], $0xF7A  }
0x26: {  	[smem:$0x3F9F] =	sst s1;
	(tag) =	ssettag s2;
	_ =	strace s9  }
0x27: {  	s1 =	sld [smem:$0x3FAF]  }
0x28: {  	s2 =	sld [smem:$0x3FB0]  }
0x29: {  	s4 =	sld [smem:$0x3FB2]  }
0x2a: {  	p0 =	seq.s32 s5, $0x0;
	s5 =	sld [smem:$0x3FB3]  }
0x2b: {  	s6 =	sld [smem:$0x3FB4]  }
0x2c: {  	s7 =	sld [smem:$0x3FB5]  }
0x2d: {  	s3 =	simm.s32 $0x108;
	s8 =	sld [smem:$0x3FB6]  }
0x2e: {  	s3 =	simm.s32 @!p0 $0x1082;
	s9 =	sld [smem:$0x3FB7]  }
0x2f: {  	lr =	sadd.s32 s0, s3;
	s0 =	sld [smem:$0x3FAE]  }
0x30: {  	s3 =	sld [smem:$0x3FB1]  }
0x31: {  	[smem:$0x3FBA] =	sst s10  }
0x32: {  	s10 =	sld [smem:$0x3FB8];
	_ =	sdelay $0x3  }
0x33: {  	p0 =	seq.s32 s10, $0x1;
	s10 =	sld [smem:$0x3FBA];
	_ =	sdelay $0x3  }
0x34: {  	[smem:$0x3FBA] =	sst s10  }
0x35: {  	s10 =	sld [smem:$0x3FB9];
	_ =	sdelay $0x3  }
0x36: {  	p1 =	seq.s32 s10, $0x1;
	s10 =	sld [smem:$0x3FBA];
	_ =	sdelay $0x3  }
0x37: {  	[smem:$0x3FBA] =	sst s10  }
0x38: {  	s10 =	sld [smem:$0x3FBB]  }
0x39: {  	_ = 	snop;
	(pc) =	sbr.ind lr, $3  }
0x3a: {  	_ = 	snop  }
0x3b: {  	_ = 	snop  }
0x3c: {  	p2 =	seq.s32 s10, $0x1;
	s10 =	sld [smem:$0x3FBA]  }
0x3d: {  	_ =	shalt  }
0x3e: {  	_ =	shalt  }
0x3f: {  	_ =	shalt  }
0x40: {  	_ =	shalt  }
0x41: {  	_ =	shalt  }
0x42: {  	_ =	shalt  }
0x43: {  	_ =	shalt  }
0x44: {  	_ =	shalt  }
0x45: {  	_ =	shalt  }
0x46: {  	_ =	shalt  }
0x47: {  	_ =	shalt  }
0x48: {  	_ =	shalt  }
0x49: {  	_ =	shalt  }
0x4a: {  	_ =	shalt  }
0x4b: {  	_ =	shalt  }
0x4c: {  	_ =	shalt  }
0x4d: {  	_ =	shalt  }
0x4e: {  	_ =	shalt  }
0x4f: {  	_ =	shalt  }
0x50: {  	_ =	shalt  }
0x51: {  	_ =	shalt  }
0x52: {  	_ =	shalt  }
0x53: {  	_ =	shalt  }
0x54: {  	_ =	shalt  }
0x55: {  	_ =	shalt  }
0x56: {  	_ =	shalt  }
0x57: {  	_ =	shalt  }
0x58: {  	_ =	shalt  }
0x59: {  	_ =	shalt  }
0x5a: {  	_ =	shalt  }
0x5b: {  	_ =	shalt  }
0x5c: {  	_ =	shalt  }
0x5d: {  	_ =	shalt  }
0x5e: {  	_ =	shalt  }
0x5f: {  	_ =	shalt  }
0x60: {  	_ =	shalt  }
0x61: {  	_ =	shalt  }
0x62: {  	_ =	shalt  }
0x63: {  	_ =	shalt  }
0x64: {  	_ =	shalt  }
0x65: {  	_ =	shalt  }
0x66: {  	_ =	shalt  }
0x67: {  	_ =	shalt  }
0x68: {  	_ =	shalt  }
0x69: {  	_ =	shalt  }
0x6a: {  	_ =	shalt  }
0x6b: {  	_ =	shalt  }
0x6c: {  	_ =	shalt  }
0x6d: {  	_ =	shalt  }
0x6e: {  	_ =	shalt  }
0x6f: {  	_ =	shalt  }
0x70: {  	_ =	shalt  }
0x71: {  	_ =	shalt  }
0x72: {  	_ =	shalt  }
0x73: {  	_ =	shalt  }
0x74: {  	_ =	shalt  }
0x75: {  	_ =	shalt  }
0x76: {  	_ =	shalt  }
0x77: {  	_ =	shalt  }
0x78: {  	_ =	shalt  }
0x79: {  	_ =	shalt  }
0x7a: {  	_ =	shalt  }
0x7b: {  	_ =	shalt  }
0x7c: {  	_ =	shalt  }
0x7d: {  	_ =	shalt  }
0x7e: {  	_ =	shalt  }
0x7f: {  	_ =	shalt  }
0x80: {  	_ =	shalt  }
0x81: {  	_ =	shalt  }
0x82: {  	_ =	shalt  }
0x83: {  	_ =	shalt  }
0x84: {  	_ =	shalt  }
0x85: {  	_ =	shalt  }
0x86: {  	_ =	shalt  }
0x87: {  	_ =	shalt  }
.Lfunc_end0:
.L_simem_size_0:
called_computation_lowered:
.L_overlay_start_0:
0x88: {  	s2 =	sld [smem:$0x3FD9]  }
0x89: {  	s3 =	sld [smem:$0x3FFE];
	_ =	sdelay $0x1  }
0x8a: {  	s1 =	srdreg.scid  }
0x8b: {  	s0 =	sand.u32 $0x1, s1  }
0x8c: {  	s18 =	sshll.u32 s0, $0xA;
	s2 =	sadd.s32 s3, s2  }
0x8d: {  	s2 =	sadd.s32 s2, s18  }
0x8e: {  	[smem:$0x3FC6] =	sst s2  }
0x8f: {  	_ = 	snop  }
0x90: {  	s2 =	sld [smem:$0x3FC9]  }
0x91: {  	s19 =	sld [smem:$0x3FC8]  }
0x92: {  	s4 =	sld [smem:$0x3FD0];
	(tm) =	ssettm $0x1  }
0x93: {  	s5 =	sld [smem:$0x3FFB];
	_ =	sdelay $0x3  }
0x94: {  	_ =	strace s5  }
0x95: {  	s5 =	sld [smem:$0x3FFC];
	_ =	sdelay $0x3  }
0x96: {  	_ =	strace s5  }
0x97: {  	s5 =	sld [smem:$0x3FFD];
	_ =	sdelay $0x3  }
0x98: {  	_ =	strace s5  }
0x99: {  	_ =	strace $0x8FFFFFFF  }
0x9a: {  	s20 =	sld [smem:$0x3FDB];
	_ =	sdelay $0x1  }
0x9b: {  	s6 =	simm.s32 $_scs_section_size  }
0x9c: {  	s7 =	simm.s32 $_size__tile_overlayer_lowered;
	s8 =	simm.s32 $_tile_overlayer_lowered  }
0x9d: {  	s23 =	simm.s32 $0x1BFF;
	s22 =	sshll.u32 s8, $0x1;
	s5 =	sadd.s32 s6, s20  }
0x9e: {  	s9 =	simm.s32 $0x0;
	s21 =	sshll.u32 s7, $0x1;
	s7 =	sadd.s32 s22, s5  }
0x9f: {  	[timem:s9], [sflag:s23] =	dma.local [hbm:s7], s21  }
0xa0: {  	_ =	swait.ge [sflag:s23], s21  }
0xa1: {  	s6 =	ssub.s32 $0x0, s21;
	[sflag:s23] =	ssyncset.done $0x0  }
0xa2: {  	[sflag:s23] =	ssyncadd.s32 s6;
	_ =	sdelay $0x1  }
0xa3: {  	s24 =	simm.s32 $0x1B8B  }
0xa4: {  	_ =	swait.ge [sflag:s24], $0x1  }
0xa5: {  	[sflag:s24] =	ssyncset.done $0x0  }
0xa6: {  	s25 =	simm.s32 $0x1B8E;
	[sflag:s24] =	ssyncadd.s32 $0xFFFFFFFF  }
0xa7: {  	s26 =	simm.s32 $execute0_lowered;
	[smem:$0x3FD2] =	sst s25  }
0xa8: {  	s6 =	sshll.u32 s26, $0x1;
	_ =	strace $0x80000046;
	[dreg:$0x1] =	wrdreg $0xFFFFFFFF  }
0xa9: {  	s28 =	simm.s32 $_size_execute0_lowered;
	s5 =	sadd.s32 s5, s6;
	[dreg:$0x0] =	wrdreg $0x0  }
0xaa: {  	s6 =	sshll.u32 s28, $0x1;
	[dreg:$0x2] =	wrdreg s5  }
0xab: {  	[dreg:$0x3] =	wrdreg s6  }
0xac: {  	[dreg:$0x4] =	wrdreg $0xC0  }
0xad: {  	_ =	task [dreg:s9], $0x5FFFF  }
0xae: {  	[dreg:$0x1] =	wrdreg $0xFFFFFFFF  }
0xaf: {  	[dreg:$0x0] =	wrdreg $0x60  }
0xb0: {  	[dreg:$0x2] =	wrdreg s2  }
0xb1: {  	[dreg:$0x3] =	wrdreg s19  }
0xb2: {  	[dreg:$0x4] =	wrdreg s4  }
0xb3: {  	[dreg:$0x5] =	wrdreg $0x9  }
0xb4: {  	_ =	task.clear_ibuf [dreg:s9], $0x6FFFF;
	_ =	strace $0x90000046  }
0xb5: {  	s29 =	simm.s32 $0x9;
	_ =	strace $0x80000048  }
0xb6: {  	_ =	swait.ge [sflag:s29], $0x1  }
0xb7: {  	[sflag:s29] =	ssyncadd.s32 $0xFFFFFFFF  }
0xb8: {  	_ =	strace $0x90000048  }
0xb9: {  	_ =	sfence  }
0xba: {  	s30 =	sld [smem:$0x0];
	_ =	sdelay $0x2  }
0xbb: {  	s31 =	sshll.u32 s1, $0xD;
	s1 =	sshrl.u32 s1, $0x2  }
0xbc: {  	s3 =	sand.u32 $0x4000, s31;
	s1 =	sadd.s32 s1, s30  }
0xbd: {  	s0 =	sor.u32 s3, s0;
	s1 =	sshll.u32 s1, $0x11  }
0xbe: {  	s0 =	sor.u32 s1, s0  }
0xbf: {  	s0 =	sadd.s32 $0x8F2B, s0  }
0xc0: {  	[sflag:s0] =	ssyncadd.remote.s32 $0x1  }
0xc1: {  	_ =	sfence.sel $0xFFFF  }
0xc2: {  	[dreg:$0x0] =	wrdreg $0xFFFFFFFF;
	(pc) =	sbr.abs _section_cstart, $3  }
0xc3: {  	[dreg:$0x1] =	wrdreg $0xFFFFFFFF  }
0xc4: {  	_ =	task.clear_ibuf [dreg:s9], $0x2FFFF;
	_ =	strace $0x9FFFFFFF  }
0xc5: {  	(tm) =	ssettm $0x7FFFFFFF  }
tec
execute0_lowered:
.L_overlay_start_1:
0x0: {  	(tag) =	ssettag $0x1  }
0x1: {  	s0 =	rddreg [dreg:$0x0]  }
0x2: {  	s2 =	rddreg [dreg:$0x1];
	s1 =	srdreg.scid  }
0x3: {  	s12 =	stileid.u32;
	s11 =	rddreg [dreg:$0x2]  }
0x4: {  	s3 =	simm.s32 $0x0;
	s13 =	simm.s32 $0x3;
	s14 =	simm.s32 $0x80  }
0x5: {  	s15 =	simm.s32 $0x3400;
	s16 =	simm.s32 $0x7400;
	s18 =	simm.s32 $0xB400  }
0x6: {  	s20 =	simm.s32 $0xF400;
	s28 =	simm.s32 $0x3300;
	s24 =	smul.u32 $0x340000, s12  }
0x7: {  	s1 =	sand.u32 $0x1, s1;
	s4 =	sshll.u32 s12, $0x1;
	s12 =	smul.u32 $0x68000, s12  }
0x8: {  	s29 =	simm.s32 $0x3380;
	[smem:$0x7FF] =	sst s3;
	s10 =	smul.u32 $0x1A0000, s1  }
0x9: {  	s4 =	sor.u32 s1, s4;
	s5 =	ssub.s32 $0x2, s1;
	s1 =	smul.u32 $0x34000, s1  }
0xa: {  	s30 =	simm.s32 $0x0;
	_ =	strace $0x80000047;
	s6 =	smul.u32 $0x3400, s4  }
0xb: {  	s7 =	sshrl.u32 s5, $0x1;
	s8 =	smul.u32 $0x34000, s4;
	s26 =	sadd.s32 s12, s11  }
0xc: {  	s23 =	smul.u32 $0x1A0000, s4;
	s9 =	ssub.s32 s5, s7;
	s1 =	sadd.s32 s1, s26  }
0xd: {  	s26 =	simm.s32 $0x2;
	s22 =	sshrl.u32 s6, $0x3;
	s5 =	sadd.s32 s11, s8  }
0xe: {  	s25 =	sshrl.u32 s23, $0x3;
	s9 =	smax.u32 s9, $0x1;
	s4 =	sadd.s32 s0, s22  }
0xf: {  	s6 =	sadd.s32 $0x1000, s5;
	s7 =	sadd.s32 $0x2000, s5;
	s8 =	sadd.s32 s11, s25  }
0x10: {  	s0 =	sadd.s32 s10, s24;
	s10 =	sadd.s32 $0x3000, s1;
	s22 =	simm.s32 $0x13400  }
0x11: {  	s24 =	simm.s32 $0x17400;
	s31 =	sadd.s32 $0x28000, s0;
	s0 =	sadd.s32 $0x20000, s0  }
0x12: {  	s25 =	simm.s32 $0x1;
	s12 =	sshrl.u32 s31, $0x3;
	s0 =	sshrl.u32 s0, $0x3  }
0x13: {  	s8 =	sadd.s32 $0x33000, s8;
	s19 =	sadd.s32 s12, s11;
	s12 =	sadd.s32 s0, s11  }
.LBB2_1:
0x14: {  	[tilespmem:s3], [sflag:$0x3] =	stream.linear.gather [hbm4b:s4+s3], $0x3400, $0x38;
	[tilespmem:$0x1B400] =	vst v63  }
0x15: {  	_ =	swait.ge [sflag:s13], $0x3400  }
0x16: {  	[sflag:s13] =	ssyncset.done $0x0  }
0x17: {  	[sflag:s13] =	ssyncadd.s32 $0xFFFFCC00  }
0x18: {  	[tilespmem:s15], [sflag:$0x1] =	stream.indirect.gather [hbm4b:s2+s14], $0x80, s3, s14, $0xb8;
	[tilespmem:$0x1B400] =	vst v63  }
0x19: {  	_ = 	snop  }
0x1a: {  	[tilespmem:s16], [sflag:$0x1] =	stream.indirect.gather [hbm4b:s2+s14], $0x80, s14, s14, $0xb8;
	[tilespmem:$0x1B400] =	vst v63  }
0x1b: {  	s0 =	simm.s32 $0x100  }
0x1c: {  	[tilespmem:s18], [sflag:$0x1] =	stream.indirect.gather [hbm4b:s2+s14], $0x80, s0, s14, $0xb8;
	[tilespmem:$0x1B400] =	vst v63  }
0x1d: {  	s11 =	simm.s32 $0x180  }
0x1e: {  	[tilespmem:s20], [sflag:$0x1] =	stream.indirect.gather [hbm4b:s2+s14], $0x80, s11, s14, $0xb8;
	[tilespmem:$0x1B400] =	vst v63  }
0x1f: {  	s17 =	simm.s32 $0x200  }
0x20: {  	[tilespmem:s22], [sflag:$0x1] =	stream.indirect.gather [hbm4b:s2+s14], $0x80, s17, s14, $0xb8;
	[tilespmem:$0x1B400] =	vst v63  }
0x21: {  	s21 =	simm.s32 $0x280  }
0x22: {  	[tilespmem:s24], [sflag:$0x1] =	stream.indirect.gather [hbm4b:s2+s14], $0x80, s21, s14, $0xb8;
	[tilespmem:$0x1B400] =	vst v63  }
0x23: {  	_ =	swait.ge [sflag:s25], $0x4000  }
0x24: {  	[sflag:s25] =	ssyncset.done $0x0  }
0x25: {  	[sflag:s25] =	ssyncadd.s32 $0xFFFFC000  }
0x26: {  	_ =	swait.ge [sflag:s25], $0x4000  }
0x27: {  	[sflag:s25] =	ssyncset.done $0x0  }
0x28: {  	[sflag:s25] =	ssyncadd.s32 $0xFFFFC000  }
0x29: {  	[hbm4b:s5+s3] =	stream.linear.scatter [tilespmem:s15], [sflag:$0x2], $0x8000, $0x38;
	[tilespmem:$0x1B400] =	vst v63  }
0x2a: {  	_ =	swait.ge [sflag:s25], $0x4000  }
0x2b: {  	[sflag:s25] =	ssyncset.done $0x0  }
0x2c: {  	[sflag:s25] =	ssyncadd.s32 $0xFFFFC000  }
0x2d: {  	_ =	swait.ge [sflag:s25], $0x4000  }
0x2e: {  	[sflag:s25] =	ssyncset.done $0x0  }
0x2f: {  	[sflag:s25] =	ssyncadd.s32 $0xFFFFC000  }
0x30: {  	[hbm4b:s6+s3] =	stream.linear.scatter [tilespmem:s18], [sflag:$0x2], $0x8000, $0x38;
	[tilespmem:$0x1B400] =	vst v63  }
0x31: {  	_ =	swait.ge [sflag:s25], $0x4000  }
0x32: {  	[sflag:s25] =	ssyncset.done $0x0  }
0x33: {  	[sflag:s25] =	ssyncadd.s32 $0xFFFFC000  }
0x34: {  	_ =	swait.ge [sflag:s25], $0x4000  }
0x35: {  	[sflag:s25] =	ssyncset.done $0x0  }
0x36: {  	[sflag:s25] =	ssyncadd.s32 $0xFFFFC000  }
0x37: {  	[hbm4b:s7+s3] =	stream.linear.scatter [tilespmem:s22], [sflag:$0x2], $0x8000, $0x38;
	[tilespmem:$0x1B400] =	vst v63  }
0x38: {  	_ =	swait.ge [sflag:s26], $0x8000  }
0x39: {  	[sflag:s26] =	ssyncset.done $0x0  }
0x3a: {  	s23 =	simm.s32 $0x300;
	[sflag:s26] =	ssyncadd.s32 $0xFFFF8000  }
0x3b: {  	[tilespmem:s15], [sflag:$0x1] =	stream.indirect.gather [hbm4b:s2+s14], $0x80, s23, s14, $0xb8;
	[tilespmem:$0x1B400] =	vst v63  }
0x3c: {  	s1 =	simm.s32 $0x380  }
0x3d: {  	[tilespmem:s16], [sflag:$0x1] =	stream.indirect.gather [hbm4b:s2+s14], $0x80, s1, s14, $0xb8;
	[tilespmem:$0x1B400] =	vst v63  }
0x3e: {  	_ =	swait.ge [sflag:s26], $0x8000  }
0x3f: {  	[sflag:s26] =	ssyncset.done $0x0  }
0x40: {  	s11 =	simm.s32 $0x400;
	[sflag:s26] =	ssyncadd.s32 $0xFFFF8000  }
0x41: {  	[tilespmem:s18], [sflag:$0x1] =	stream.indirect.gather [hbm4b:s2+s14], $0x80, s11, s14, $0xb8;
	[tilespmem:$0x1B400] =	vst v63  }
0x42: {  	s17 =	simm.s32 $0x480  }
0x43: {  	[tilespmem:s20], [sflag:$0x1] =	stream.indirect.gather [hbm4b:s2+s14], $0x80, s17, s14, $0xb8;
	[tilespmem:$0x1B400] =	vst v63  }
0x44: {  	_ =	swait.ge [sflag:s26], $0x8000  }
0x45: {  	[sflag:s26] =	ssyncset.done $0x0  }
0x46: {  	s21 =	simm.s32 $0x500;
	[sflag:s26] =	ssyncadd.s32 $0xFFFF8000  }
0x47: {  	[tilespmem:s22], [sflag:$0x1] =	stream.indirect.gather [hbm4b:s2+s14], $0x80, s21, s14, $0xb8;
	[tilespmem:$0x1B400] =	vst v63  }
0x48: {  	s23 =	simm.s32 $0x580  }
0x49: {  	[tilespmem:s24], [sflag:$0x1] =	stream.indirect.gather [hbm4b:s2+s14], $0x80, s23, s14, $0xb8;
	[tilespmem:$0x1B400] =	vst v63  }
0x4a: {  	_ =	swait.ge [sflag:s25], $0x4000  }
0x4b: {  	[sflag:s25] =	ssyncset.done $0x0  }
0x4c: {  	[sflag:s25] =	ssyncadd.s32 $0xFFFFC000  }
0x4d: {  	_ =	swait.ge [sflag:s25], $0x4000  }
0x4e: {  	[sflag:s25] =	ssyncset.done $0x0  }
0x4f: {  	[sflag:s25] =	ssyncadd.s32 $0xFFFFC000  }
0x50: {  	[hbm4b:s10+s3] =	stream.linear.scatter [tilespmem:s15], [sflag:$0x2], $0x8000, $0x38;
	[tilespmem:$0x1B400] =	vst v63  }
0x51: {  	_ =	swait.ge [sflag:s25], $0x4000  }
0x52: {  	[sflag:s25] =	ssyncset.done $0x0  }
0x53: {  	[sflag:s25] =	ssyncadd.s32 $0xFFFFC000  }
0x54: {  	_ =	swait.ge [sflag:s25], $0x4000  }
0x55: {  	[sflag:s25] =	ssyncset.done $0x0  }
0x56: {  	[sflag:s25] =	ssyncadd.s32 $0xFFFFC000  }
0x57: {  	[hbm4b:s12+s3] =	stream.linear.scatter [tilespmem:s18], [sflag:$0x2], $0x8000, $0x38;
	[tilespmem:$0x1B400] =	vst v63  }
0x58: {  	_ =	swait.ge [sflag:s25], $0x4000  }
0x59: {  	[sflag:s25] =	ssyncset.done $0x0  }
0x5a: {  	[sflag:s25] =	ssyncadd.s32 $0xFFFFC000  }
0x5b: {  	s31 =	simm.s32 $0xC00;
	_ =	swait.ge [sflag:s25], $0x4000  }
0x5c: {  	s0 =	sadd.s32 $0x3000, s10;
	s1 =	sadd.s32 $0x3000, s12;
	[sflag:s25] =	ssyncset.done $0x0  }
0x5d: {  	s11 =	smov.u32 s19;
	s17 =	sadd.s32 $0x3000, s19;
	[sflag:s25] =	ssyncadd.s32 $0xFFFFC000  }
.LBB2_2:
0x5e: {  	[hbm4b:s11+s3] =	stream.linear.scatter [tilespmem:s22], [sflag:$0x2], $0x8000, $0x38;
	[tilespmem:$0x1B400] =	vst v63  }
0x5f: {  	s21 =	smov.u32 s31;
	s11 =	smov.u32 s17  }
0x60: {  	p0 =	sne.s32 s31, $0xB400;
	s31 =	sadd.s32 $0xC00, s31;
	_ =	swait.ge [sflag:s26], $0x8000  }
0x61: {  	s21 =	sshra.s32 s21, $0x2;
	[sflag:s26] =	ssyncset.done $0x0  }
0x62: {  	s23 =	sadd.s32 $0x300, s21;
	[sflag:s26] =	ssyncadd.s32 $0xFFFF8000  }
0x63: {  	[tilespmem:s15], [sflag:$0x1] =	stream.indirect.gather [hbm4b:s2+s14], $0x80, s23, s14, $0xb8;
	[tilespmem:$0x1B400] =	vst v63  }
0x64: {  	s23 =	sadd.s32 $0x380, s21  }
0x65: {  	[tilespmem:s16], [sflag:$0x1] =	stream.indirect.gather [hbm4b:s2+s14], $0x80, s23, s14, $0xb8;
	[tilespmem:$0x1B400] =	vst v63  }
0x66: {  	_ =	swait.ge [sflag:s26], $0x8000  }
0x67: {  	[sflag:s26] =	ssyncset.done $0x0  }
0x68: {  	s23 =	sadd.s32 $0x400, s21;
	[sflag:s26] =	ssyncadd.s32 $0xFFFF8000  }
0x69: {  	[tilespmem:s18], [sflag:$0x1] =	stream.indirect.gather [hbm4b:s2+s14], $0x80, s23, s14, $0xb8;
	[tilespmem:$0x1B400] =	vst v63  }
0x6a: {  	s23 =	sadd.s32 $0x480, s21  }
0x6b: {  	[tilespmem:s20], [sflag:$0x1] =	stream.indirect.gather [hbm4b:s2+s14], $0x80, s23, s14, $0xb8;
	[tilespmem:$0x1B400] =	vst v63  }
0x6c: {  	_ =	swait.ge [sflag:s26], $0x8000  }
0x6d: {  	[sflag:s26] =	ssyncset.done $0x0  }
0x6e: {  	s23 =	sadd.s32 $0x500, s21;
	[sflag:s26] =	ssyncadd.s32 $0xFFFF8000  }
0x6f: {  	[tilespmem:s22], [sflag:$0x1] =	stream.indirect.gather [hbm4b:s2+s14], $0x80, s23, s14, $0xb8;
	[tilespmem:$0x1B400] =	vst v63  }
0x70: {  	s21 =	sadd.s32 $0x580, s21  }
0x71: {  	[tilespmem:s24], [sflag:$0x1] =	stream.indirect.gather [hbm4b:s2+s14], $0x80, s21, s14, $0xb8;
	[tilespmem:$0x1B400] =	vst v63  }
0x72: {  	_ =	swait.ge [sflag:s25], $0x4000  }
0x73: {  	[sflag:s25] =	ssyncset.done $0x0  }
0x74: {  	[sflag:s25] =	ssyncadd.s32 $0xFFFFC000  }
0x75: {  	_ =	swait.ge [sflag:s25], $0x4000  }
0x76: {  	[sflag:s25] =	ssyncset.done $0x0  }
0x77: {  	[sflag:s25] =	ssyncadd.s32 $0xFFFFC000  }
0x78: {  	[hbm4b:s0+s3] =	stream.linear.scatter [tilespmem:s15], [sflag:$0x2], $0x8000, $0x38;
	[tilespmem:$0x1B400] =	vst v63  }
0x79: {  	_ =	swait.ge [sflag:s25], $0x4000  }
0x7a: {  	[sflag:s25] =	ssyncset.done $0x0  }
0x7b: {  	[sflag:s25] =	ssyncadd.s32 $0xFFFFC000  }
0x7c: {  	_ =	swait.ge [sflag:s25], $0x4000  }
0x7d: {  	[sflag:s25] =	ssyncset.done $0x0  }
0x7e: {  	[sflag:s25] =	ssyncadd.s32 $0xFFFFC000  }
0x7f: {  	[hbm4b:s1+s3] =	stream.linear.scatter [tilespmem:s18], [sflag:$0x2], $0x8000, $0x38;
	[tilespmem:$0x1B400] =	vst v63  }
0x80: {  	_ =	swait.ge [sflag:s25], $0x4000  }
.Ltmp0:
0x81: {  	[sflag:s25] =	ssyncset.done $0x0;
	(pc) =	sbr.rel @p0 .LBB2_2-.Ltmp0, $4  }
0x82: {  	[sflag:s25] =	ssyncadd.s32 $0xFFFFC000  }
0x83: {  	_ =	swait.ge [sflag:s25], $0x4000  }
0x84: {  	s1 =	sadd.s32 $0x3000, s1;
	[sflag:s25] =	ssyncset.done $0x0  }
0x85: {  	s17 =	sadd.s32 $0x3000, s17;
	s0 =	sadd.s32 $0x3000, s0;
	[sflag:s25] =	ssyncadd.s32 $0xFFFFC000  }
0x86: {  	[hbm4b:s11+s3] =	stream.linear.scatter [tilespmem:s22], [sflag:$0x2], $0x8000, $0x38;
	[tilespmem:$0x1B400] =	vst v63  }
0x87: {  	_ =	swait.ge [sflag:s26], $0x8000  }
0x88: {  	[sflag:s26] =	ssyncset.done $0x0  }
0x89: {  	[sflag:s26] =	ssyncadd.s32 $0xFFFF8000  }
0x8a: {  	[tilespmem:s15], [sflag:$0x1] =	stream.indirect.gather [hbm4b:s2+s14], $0x80, s28, s14, $0xb8;
	[tilespmem:$0x1B400] =	vst v63  }
0x8b: {  	_ = 	snop  }
0x8c: {  	[tilespmem:s16], [sflag:$0x1] =	stream.indirect.gather [hbm4b:s2+s14], $0x80, s29, s14, $0xb8;
	[tilespmem:$0x1B400] =	vst v63  }
0x8d: {  	_ =	swait.ge [sflag:s25], $0x4000  }
0x8e: {  	[sflag:s25] =	ssyncset.done $0x0  }
0x8f: {  	[sflag:s25] =	ssyncadd.s32 $0xFFFFC000  }
0x90: {  	_ =	swait.ge [sflag:s25], $0x4000  }
0x91: {  	[sflag:s25] =	ssyncset.done $0x0  }
0x92: {  	[sflag:s25] =	ssyncadd.s32 $0xFFFFC000  }
0x93: {  	[hbm4b:s8+s3] =	stream.linear.scatter [tilespmem:s15], [sflag:$0x2], $0x8000, $0x38;
	[tilespmem:$0x1B400] =	vst v63  }
0x94: {  	_ =	swait.ge [sflag:s26], $0x8000  }
0x95: {  	[sflag:s26] =	ssyncset.done $0x0  }
0x96: {  	s30 =	sadd.s32 $0x1, s30;
	[sflag:s26] =	ssyncadd.s32 $0xFFFF8000  }
0x97: {  	p0 =	sne.s32 s30, s9;
	_ =	swait.ge [sflag:s26], $0x8000  }
.Ltmp1:
0x98: {  	[sflag:s26] =	ssyncset.done $0x0;
	(pc) =	sbr.rel @p0 .LBB2_1-.Ltmp1, $4  }
0x99: {  	[sflag:s26] =	ssyncadd.s32 $0xFFFF8000  }
0x9a: {  	_ =	swait.ge [sflag:s26], $0x8000  }
0x9b: {  	[sflag:s26] =	ssyncset.done $0x0  }
0x9c: {  	[sflag:s26] =	ssyncadd.s32 $0xFFFF8000  }
0x9d: {  	_ =	sfence.sel $0x180000  }
0x9e: {  	[bflag:$0x0] =	sbarrier.arrive $0xFFFF  }
0x9f: {  	_ =	strace $0x90000047  }
0xa0: {  	s0 =	stileid.u32;
	[bflag:$0x2] =	sbarrier.arrive $0xFFFF  }
0xa1: {  	p0 =	sne.s32 s0, $0x0;
	s0 =	rddreg [dreg:$0x3]  }
0xa2: {  	s0 =	sadd.s32 @!p0 $0x100000, s0  }
0xa3: {  	[sflag:s0] =	ssyncadd.tile.s32 @!p0 $0x1;
	_ =	shalt  }
.Lfunc_end2:
_tile_overlayer_lowered:
.L_overlay_start_2:
0xa4: {  	(tag) =	ssettag $0x2  }
0xa5: {  	s0 =	rddreg [dreg:$0x0];
	s2 =	stileid.u32  }
0xa6: {  	s1 =	rddreg [dreg:$0x1];
	p0 =	sne.s32 s2, $0x0  }
0xa7: {  	s3 =	rddreg [dreg:$0x2];
	[bflag:$0x3] =	sbarrier.arrive $0xFFFF;
	s2 =	simm.s32 @!p0 $0x1C03  }
0xa8: {  	[timem:s3], [sflag:s2] =	dma.local @!p0 [hbm:s0], s1  }
0xa9: {  	s0 =	simm.s32 @!p0 $0x3  }
0xaa: {  	_ =	swait.ge @!p0 [sflag:s0], s1  }
0xab: {  	s1 =	ssub.s32 @!p0 $0x0, s1;
	[sflag:s0] =	ssyncset.done @!p0 $0x0  }
0xac: {  	[sflag:s0] =	ssyncadd.s32 @!p0 s1  }
0xad: {  	[bflag:$0x3] =	sbarrier.arrive $0xFFFF  }
0xae: {  	_ =	shalt  }

</sc_bundles>
